<compile_context>
chip_gen: v7x
topology: tpu7x:2x2x1
jax: 0.10.2.dev20260603
libtpu: 0.0.44.dev20260713+nightly
codegen_flags: <defaults>
</compile_context>

<pallas_src>
import functools

import jax
import jax.numpy as jnp
from jax import lax
from jax.experimental import pallas as pl
from jax.experimental.pallas import tpu as pltpu
from jax.experimental.pallas import tpu_sc as plsc

B = 4096
H = 200
D = 32
C = 4
V = 1000000
W16 = 16
PACK = 8
NC, NS = 2, 16
NW = NC * NS
BAGS_PER_W = B // NW
CHUNK_BAGS = 4
CHUNK_ROWS = CHUNK_BAGS * H
NCHUNK = BAGS_PER_W // CHUNK_BAGS
GATHER_W = 100
NGATHER = CHUNK_ROWS // GATHER_W

VP = V // PACK
PROJ_BLK = 5000


def _project_body(x_ref, w_ref, b_ref, o_ref):
    o_ref[...] = (
        jnp.dot(x_ref[...], w_ref[...], preferred_element_type=jnp.float32)
        * (1.0 / H)
        + b_ref[...]
    )


def _project(table8, wb, bias_row):
    return pl.pallas_call(
        _project_body,
        grid=(VP // PROJ_BLK,),
        in_specs=[
            pl.BlockSpec((PROJ_BLK, PACK * D), lambda i: (i, 0)),
            pl.BlockSpec((PACK * D, PACK * W16), lambda i: (0, 0)),
            pl.BlockSpec((1, PACK * W16), lambda i: (0, 0)),
        ],
        out_specs=pl.BlockSpec((PROJ_BLK, PACK * W16), lambda i: (i, 0)),
        out_shape=jax.ShapeDtypeStruct((VP, PACK * W16), jnp.float32),
    )(table8, wb, bias_row)


_mesh = plsc.VectorSubcoreMesh(core_axis_name="c", subcore_axis_name="s")


@functools.partial(
    pl.kernel,
    out_type=jax.ShapeDtypeStruct((B, D), jnp.float32),
    mesh=_mesh,
    scratch_types=[
        pltpu.VMEM((NGATHER, GATHER_W), jnp.int32),
        pltpu.VMEM((CHUNK_ROWS, W16), jnp.float32),
        pltpu.VMEM((BAGS_PER_W, D), jnp.float32),
        pltpu.SemaphoreType.DMA,
    ],
    compiler_params=pltpu.CompilerParams(use_tc_tiling_on_sc=False),
)
def _bag_sums(text_hbm, p4_hbm, out_hbm, idx_ref, rows_ref, sums_ref, sem):
    wid = lax.axis_index("c") * NS + lax.axis_index("s")
    zero = jnp.zeros((16,), jnp.float32)

    @pl.loop(0, NCHUNK)
    def _(c):
        row0 = wid * (BAGS_PER_W * 2) + c * (CHUNK_BAGS * 2)
        pltpu.sync_copy(text_hbm.at[pl.ds(row0, NGATHER)], idx_ref)
        cps = [
            pltpu.async_copy(
                p4_hbm.at[idx_ref.at[j]],
                rows_ref.at[pl.ds(j * GATHER_W, GATHER_W)],
                sem,
            )
            for j in range(NGATHER)
        ]
        for cp in cps:
            cp.wait()
        for b in range(CHUNK_BAGS):
            def body(i, acc, _b=b):
                return acc + rows_ref[_b * H + i, pl.ds(0, 16)]

            a0 = lax.fori_loop(0, H, body, zero, unroll=8)
            bag = c * CHUNK_BAGS + b
            sums_ref[bag, pl.ds(0, 16)] = a0
            sums_ref[bag, pl.ds(16, 16)] = zero

    pltpu.sync_copy(sums_ref, out_hbm.at[pl.ds(wid * BAGS_PER_W, BAGS_PER_W)])


@jax.jit
def kernel(text, emb_table, fc_w, fc_b):
    text2d = text.reshape(B * 2, H // 2).astype(jnp.int32)
    w4 = jnp.tile(fc_w.T, (1, 4))
    wb = jnp.kron(jnp.eye(PACK, dtype=jnp.float32), w4)
    b4 = jnp.tile(fc_b, 4 * PACK).reshape(1, PACK * W16) * (1.0 / H)
    table8 = emb_table.reshape(VP, PACK * D)
    p4 = _project(table8, wb, b4).reshape(V, W16)
    sums = _bag_sums(text2d, p4)
    return sums[:, :C]

# --- scband reference (transcript-rebuilt; emitter-appended) ---
"""Pipeline reference for scband-text-classification-model-87514253624211 (READ-ONLY COPY).

The authoritative reference and input builder live on the scoring server;
editing this copy changes nothing except your own understanding.
"""

import jax, jax.numpy as jnp
import numpy as np

VOCAB = 1000000
EMBED_DIM = 32
NUM_CLASSES = 4
BATCH = 4096
HIST = 200

def setup_inputs(seed: int = 0) -> dict:
    key = jax.random.key(seed)
    k_text, k_emb, k_w, k_b = jax.random.split(key, 4)
    text = jax.random.randint(k_text, (BATCH, HIST), 0, VOCAB, dtype=jnp.int64)
    emb_table = jax.random.normal(k_emb, (VOCAB, EMBED_DIM), dtype=jnp.float32) * 0.02
    fc_w = jax.random.normal(k_w, (NUM_CLASSES, EMBED_DIM), dtype=jnp.float32) * 0.1
    fc_b = jnp.zeros((NUM_CLASSES,), dtype=jnp.float32)
    return {"text": text, "emb_table": emb_table, "fc_w": fc_w, "fc_b": fc_b}

def reference(text, emb_table, fc_w, fc_b):
    # nn.EmbeddingBag with 2D input, default mode='mean':
    # each row of text is a bag; gather then mean over the bag dimension.
    gathered = jnp.take(emb_table, text, axis=0)        # [B, L, D]
    embedded = jnp.mean(gathered, axis=1)               # [B, D]
    # nn.Linear: x @ W^T + b
    out = embedded @ fc_w.T + fc_b                       # [B, num_classes]
    return out

if __name__ == "__main__":
    import jax
    _d = setup_inputs()
    print(jax.jit(kernel)(*tuple(_d.values())))

</pallas_src>

<mosaic_0001>
#map = affine_map<(d0, d1) -> (0, 0)>
module attributes {stable_mosaic.version = 14 : i64} {
  func.func @_bag_sums(%arg0: i32, %arg1: i32, %arg2: memref<8192x100xi32, #tpu.memory_space<hbm>>, %arg3: memref<1000000x16xf32, #tpu.memory_space<hbm>>, %arg4: memref<4096x32xf32, #tpu.memory_space<hbm>>, %arg5: memref<8x100xi32, #tpu.memory_space<vmem>>, %arg6: memref<800x16xf32, #tpu.memory_space<vmem>>, %arg7: memref<128x32xf32, #tpu.memory_space<vmem>>, %arg8: memref<!tpu.dma_semaphore, #tpu.memory_space<semaphore_mem>>) attributes {dimension_semantics = [#tpu.dimension_semantics<core_parallel>, #tpu.dimension_semantics<subcore_parallel>], iteration_bounds = array<i64: 2, 16>, scalar_prefetch = 0 : i64, scratch_operands = 4 : i64, tpu.core_type = #tpu.core_type<sc_vector_subcore>, window_params = [{transform_indices = #map}, {transform_indices = #map}, {transform_indices = #map}]} {
    %mul3A = arith.constant 16 : i32
    %mul3A_0 = arith.muli %arg0, %mul3A : i32
    %add3A = arith.addi %mul3A_0, %arg1 : i32
    %broadcast_in_dim3A = arith.constant 0.000000e+00 : f32
    %broadcast_in_dim3A_1 = vector.broadcast %broadcast_in_dim3A : f32 to vector<16xf32>
    %scan3A = arith.constant 0 : i32
    %scan3A_2 = arith.constant 32 : i32
    %scan3A_3 = arith.addi %scan3A, %scan3A_2 : i32
    %scan3A_4 = arith.constant 1 : i32
    scf.for %scan3A_8 = %scan3A to %scan3A_3 step %scan3A_4  : i32 {
      %mul3A_9 = arith.constant 1 : i32
      %mul3A_10 = arith.muli %scan3A_8, %mul3A_9 : i32
      %add3A_11 = arith.constant 0 : i32
      %add3A_12 = arith.addi %add3A_11, %mul3A_10 : i32
      %mul3A_13 = arith.constant 256 : i32
      %mul3A_14 = arith.muli %add3A, %mul3A_13 : i32
      %mul3A_15 = arith.constant 8 : i32
      %mul3A_16 = arith.muli %add3A_12, %mul3A_15 : i32
      %add3A_17 = arith.addi %mul3A_14, %mul3A_16 : i32
      "tpu.region"() ({
        %run_scoped3A = tpu.sem_alloc : memref<!tpu.dma_semaphore, #tpu.memory_space<semaphore_mem>>
        %dma_start3A_255 = arith.constant 0 : i32
        %dma_start3A_256 = tpu.memref_slice %arg2[%add3A_17, %dma_start3A_255] : memref<8192x100xi32, #tpu.memory_space<hbm>> -> memref<8x100xi32, #tpu.memory_space<hbm>>
        %dma_start3A_257 = arith.constant 0 : i32
        %dma_start3A_258 = tpu.memref_slice %arg2[%add3A_17, %dma_start3A_257] : memref<8192x100xi32, #tpu.memory_space<hbm>> -> memref<8x100xi32, #tpu.memory_space<hbm>>
        tpu.enqueue_dma source(%dma_start3A_258 : memref<8x100xi32, #tpu.memory_space<hbm>>) target(%arg5 : memref<8x100xi32, #tpu.memory_space<vmem>>) target_semaphore(%run_scoped3A : memref<!tpu.dma_semaphore, #tpu.memory_space<semaphore_mem>>)
        %dma_wait3A_259 = arith.constant 0 : i32
        %dma_wait3A_260 = tpu.memref_slice %arg2[%add3A_17, %dma_wait3A_259] : memref<8192x100xi32, #tpu.memory_space<hbm>> -> memref<8x100xi32, #tpu.memory_space<hbm>>
        %dma_wait3A_261 = arith.constant 0 : i32
        %dma_wait3A_262 = tpu.memref_slice %arg2[%add3A_17, %dma_wait3A_261] : memref<8192x100xi32, #tpu.memory_space<hbm>> -> memref<8x100xi32, #tpu.memory_space<hbm>>
        tpu.wait_dma2 semaphore(%run_scoped3A : memref<!tpu.dma_semaphore, #tpu.memory_space<semaphore_mem>>) src(%dma_wait3A_262 : memref<8x100xi32, #tpu.memory_space<hbm>>) dst(%arg5 : memref<8x100xi32, #tpu.memory_space<vmem>>)
        tpu.yield
      }) : () -> ()
      %dma_start3A = arith.constant 0 : i32
      %dma_start3A_18 = arith.constant 0 : i32
      %dma_start3A_19 = arith.constant 0 : i32
      %dma_start3A_20 = tpu.memref_slice %arg6[%dma_start3A_18, %dma_start3A_19] : memref<800x16xf32, #tpu.memory_space<vmem>> -> memref<100x16xf32, #tpu.memory_space<vmem>>
      %dma_start3A_21 = arith.constant 0 : i32
      %dma_start3A_22 = tpu.memref_slice %arg5[%dma_start3A, %dma_start3A_21] : memref<8x100xi32, #tpu.memory_space<vmem>> -> memref<1x100xi32, #tpu.memory_space<vmem>>
      %dma_start3A_23 = tpu.memref_squeeze %dma_start3A_22 : memref<1x100xi32, #tpu.memory_space<vmem>> -> memref<100xi32, #tpu.memory_space<vmem>>
      %dma_start3A_24 = arith.constant 0 : i32
      %dma_start3A_25 = arith.constant 0 : i32
      %dma_start3A_26 = tpu.memref_slice %arg3[%dma_start3A_24, %dma_start3A_25] : memref<1000000x16xf32, #tpu.memory_space<hbm>> -> memref<1000000x16xf32, #tpu.memory_space<hbm>>
      tpu.enqueue_indirect_dma source(%dma_start3A_26 : memref<1000000x16xf32, #tpu.memory_space<hbm>>) target(%dma_start3A_20 : memref<100x16xf32, #tpu.memory_space<vmem>>) offsets(%dma_start3A_23 : memref<100xi32, #tpu.memory_space<vmem>>) semaphore(%arg8 : memref<!tpu.dma_semaphore, #tpu.memory_space<semaphore_mem>>)
      %dma_start3A_27 = arith.constant 1 : i32
      %dma_start3A_28 = arith.constant 100 : i32
      %dma_start3A_29 = arith.constant 0 : i32
      %dma_start3A_30 = tpu.memref_slice %arg6[%dma_start3A_28, %dma_start3A_29] : memref<800x16xf32, #tpu.memory_space<vmem>> -> memref<100x16xf32, #tpu.memory_space<vmem>>
      %dma_start3A_31 = arith.constant 0 : i32
      %dma_start3A_32 = tpu.memref_slice %arg5[%dma_start3A_27, %dma_start3A_31] : memref<8x100xi32, #tpu.memory_space<vmem>> -> memref<1x100xi32, #tpu.memory_space<vmem>>
      %dma_start3A_33 = tpu.memref_squeeze %dma_start3A_32 : memref<1x100xi32, #tpu.memory_space<vmem>> -> memref<100xi32, #tpu.memory_space<vmem>>
      %dma_start3A_34 = arith.constant 0 : i32
      %dma_start3A_35 = arith.constant 0 : i32
      %dma_start3A_36 = tpu.memref_slice %arg3[%dma_start3A_34, %dma_start3A_35] : memref<1000000x16xf32, #tpu.memory_space<hbm>> -> memref<1000000x16xf32, #tpu.memory_space<hbm>>
      tpu.enqueue_indirect_dma source(%dma_start3A_36 : memref<1000000x16xf32, #tpu.memory_space<hbm>>) target(%dma_start3A_30 : memref<100x16xf32, #tpu.memory_space<vmem>>) offsets(%dma_start3A_33 : memref<100xi32, #tpu.memory_space<vmem>>) semaphore(%arg8 : memref<!tpu.dma_semaphore, #tpu.memory_space<semaphore_mem>>)
      %dma_start3A_37 = arith.constant 2 : i32
      %dma_start3A_38 = arith.constant 200 : i32
      %dma_start3A_39 = arith.constant 0 : i32
      %dma_start3A_40 = tpu.memref_slice %arg6[%dma_start3A_38, %dma_start3A_39] : memref<800x16xf32, #tpu.memory_space<vmem>> -> memref<100x16xf32, #tpu.memory_space<vmem>>
      %dma_start3A_41 = arith.constant 0 : i32
      %dma_start3A_42 = tpu.memref_slice %arg5[%dma_start3A_37, %dma_start3A_41] : memref<8x100xi32, #tpu.memory_space<vmem>> -> memref<1x100xi32, #tpu.memory_space<vmem>>
      %dma_start3A_43 = tpu.memref_squeeze %dma_start3A_42 : memref<1x100xi32, #tpu.memory_space<vmem>> -> memref<100xi32, #tpu.memory_space<vmem>>
      %dma_start3A_44 = arith.constant 0 : i32
      %dma_start3A_45 = arith.constant 0 : i32
      %dma_start3A_46 = tpu.memref_slice %arg3[%dma_start3A_44, %dma_start3A_45] : memref<1000000x16xf32, #tpu.memory_space<hbm>> -> memref<1000000x16xf32, #tpu.memory_space<hbm>>
      tpu.enqueue_indirect_dma source(%dma_start3A_46 : memref<1000000x16xf32, #tpu.memory_space<hbm>>) target(%dma_start3A_40 : memref<100x16xf32, #tpu.memory_space<vmem>>) offsets(%dma_start3A_43 : memref<100xi32, #tpu.memory_space<vmem>>) semaphore(%arg8 : memref<!tpu.dma_semaphore, #tpu.memory_space<semaphore_mem>>)
      %dma_start3A_47 = arith.constant 3 : i32
      %dma_start3A_48 = arith.constant 300 : i32
      %dma_start3A_49 = arith.constant 0 : i32
      %dma_start3A_50 = tpu.memref_slice %arg6[%dma_start3A_48, %dma_start3A_49] : memref<800x16xf32, #tpu.memory_space<vmem>> -> memref<100x16xf32, #tpu.memory_space<vmem>>
      %dma_start3A_51 = arith.constant 0 : i32
      %dma_start3A_52 = tpu.memref_slice %arg5[%dma_start3A_47, %dma_start3A_51] : memref<8x100xi32, #tpu.memory_space<vmem>> -> memref<1x100xi32, #tpu.memory_space<vmem>>
      %dma_start3A_53 = tpu.memref_squeeze %dma_start3A_52 : memref<1x100xi32, #tpu.memory_space<vmem>> -> memref<100xi32, #tpu.memory_space<vmem>>
      %dma_start3A_54 = arith.constant 0 : i32
      %dma_start3A_55 = arith.constant 0 : i32
      %dma_start3A_56 = tpu.memref_slice %arg3[%dma_start3A_54, %dma_start3A_55] : memref<1000000x16xf32, #tpu.memory_space<hbm>> -> memref<1000000x16xf32, #tpu.memory_space<hbm>>
      tpu.enqueue_indirect_dma source(%dma_start3A_56 : memref<1000000x16xf32, #tpu.memory_space<hbm>>) target(%dma_start3A_50 : memref<100x16xf32, #tpu.memory_space<vmem>>) offsets(%dma_start3A_53 : memref<100xi32, #tpu.memory_space<vmem>>) semaphore(%arg8 : memref<!tpu.dma_semaphore, #tpu.memory_space<semaphore_mem>>)
      %dma_start3A_57 = arith.constant 4 : i32
      %dma_start3A_58 = arith.constant 400 : i32
      %dma_start3A_59 = arith.constant 0 : i32
      %dma_start3A_60 = tpu.memref_slice %arg6[%dma_start3A_58, %dma_start3A_59] : memref<800x16xf32, #tpu.memory_space<vmem>> -> memref<100x16xf32, #tpu.memory_space<vmem>>
      %dma_start3A_61 = arith.constant 0 : i32
      %dma_start3A_62 = tpu.memref_slice %arg5[%dma_start3A_57, %dma_start3A_61] : memref<8x100xi32, #tpu.memory_space<vmem>> -> memref<1x100xi32, #tpu.memory_space<vmem>>
      %dma_start3A_63 = tpu.memref_squeeze %dma_start3A_62 : memref<1x100xi32, #tpu.memory_space<vmem>> -> memref<100xi32, #tpu.memory_space<vmem>>
      %dma_start3A_64 = arith.constant 0 : i32
      %dma_start3A_65 = arith.constant 0 : i32
      %dma_start3A_66 = tpu.memref_slice %arg3[%dma_start3A_64, %dma_start3A_65] : memref<1000000x16xf32, #tpu.memory_space<hbm>> -> memref<1000000x16xf32, #tpu.memory_space<hbm>>
      tpu.enqueue_indirect_dma source(%dma_start3A_66 : memref<1000000x16xf32, #tpu.memory_space<hbm>>) target(%dma_start3A_60 : memref<100x16xf32, #tpu.memory_space<vmem>>) offsets(%dma_start3A_63 : memref<100xi32, #tpu.memory_space<vmem>>) semaphore(%arg8 : memref<!tpu.dma_semaphore, #tpu.memory_space<semaphore_mem>>)
      %dma_start3A_67 = arith.constant 5 : i32
      %dma_start3A_68 = arith.constant 500 : i32
      %dma_start3A_69 = arith.constant 0 : i32
      %dma_start3A_70 = tpu.memref_slice %arg6[%dma_start3A_68, %dma_start3A_69] : memref<800x16xf32, #tpu.memory_space<vmem>> -> memref<100x16xf32, #tpu.memory_space<vmem>>
      %dma_start3A_71 = arith.constant 0 : i32
      %dma_start3A_72 = tpu.memref_slice %arg5[%dma_start3A_67, %dma_start3A_71] : memref<8x100xi32, #tpu.memory_space<vmem>> -> memref<1x100xi32, #tpu.memory_space<vmem>>
      %dma_start3A_73 = tpu.memref_squeeze %dma_start3A_72 : memref<1x100xi32, #tpu.memory_space<vmem>> -> memref<100xi32, #tpu.memory_space<vmem>>
      %dma_start3A_74 = arith.constant 0 : i32
      %dma_start3A_75 = arith.constant 0 : i32
      %dma_start3A_76 = tpu.memref_slice %arg3[%dma_start3A_74, %dma_start3A_75] : memref<1000000x16xf32, #tpu.memory_space<hbm>> -> memref<1000000x16xf32, #tpu.memory_space<hbm>>
      tpu.enqueue_indirect_dma source(%dma_start3A_76 : memref<1000000x16xf32, #tpu.memory_space<hbm>>) target(%dma_start3A_70 : memref<100x16xf32, #tpu.memory_space<vmem>>) offsets(%dma_start3A_73 : memref<100xi32, #tpu.memory_space<vmem>>) semaphore(%arg8 : memref<!tpu.dma_semaphore, #tpu.memory_space<semaphore_mem>>)
      %dma_start3A_77 = arith.constant 6 : i32
      %dma_start3A_78 = arith.constant 600 : i32
      %dma_start3A_79 = arith.constant 0 : i32
      %dma_start3A_80 = tpu.memref_slice %arg6[%dma_start3A_78, %dma_start3A_79] : memref<800x16xf32, #tpu.memory_space<vmem>> -> memref<100x16xf32, #tpu.memory_space<vmem>>
      %dma_start3A_81 = arith.constant 0 : i32
      %dma_start3A_82 = tpu.memref_slice %arg5[%dma_start3A_77, %dma_start3A_81] : memref<8x100xi32, #tpu.memory_space<vmem>> -> memref<1x100xi32, #tpu.memory_space<vmem>>
      %dma_start3A_83 = tpu.memref_squeeze %dma_start3A_82 : memref<1x100xi32, #tpu.memory_space<vmem>> -> memref<100xi32, #tpu.memory_space<vmem>>
      %dma_start3A_84 = arith.constant 0 : i32
      %dma_start3A_85 = arith.constant 0 : i32
      %dma_start3A_86 = tpu.memref_slice %arg3[%dma_start3A_84, %dma_start3A_85] : memref<1000000x16xf32, #tpu.memory_space<hbm>> -> memref<1000000x16xf32, #tpu.memory_space<hbm>>
      tpu.enqueue_indirect_dma source(%dma_start3A_86 : memref<1000000x16xf32, #tpu.memory_space<hbm>>) target(%dma_start3A_80 : memref<100x16xf32, #tpu.memory_space<vmem>>) offsets(%dma_start3A_83 : memref<100xi32, #tpu.memory_space<vmem>>) semaphore(%arg8 : memref<!tpu.dma_semaphore, #tpu.memory_space<semaphore_mem>>)
      %dma_start3A_87 = arith.constant 7 : i32
      %dma_start3A_88 = arith.constant 700 : i32
      %dma_start3A_89 = arith.constant 0 : i32
      %dma_start3A_90 = tpu.memref_slice %arg6[%dma_start3A_88, %dma_start3A_89] : memref<800x16xf32, #tpu.memory_space<vmem>> -> memref<100x16xf32, #tpu.memory_space<vmem>>
      %dma_start3A_91 = arith.constant 0 : i32
      %dma_start3A_92 = tpu.memref_slice %arg5[%dma_start3A_87, %dma_start3A_91] : memref<8x100xi32, #tpu.memory_space<vmem>> -> memref<1x100xi32, #tpu.memory_space<vmem>>
      %dma_start3A_93 = tpu.memref_squeeze %dma_start3A_92 : memref<1x100xi32, #tpu.memory_space<vmem>> -> memref<100xi32, #tpu.memory_space<vmem>>
      %dma_start3A_94 = arith.constant 0 : i32
      %dma_start3A_95 = arith.constant 0 : i32
      %dma_start3A_96 = tpu.memref_slice %arg3[%dma_start3A_94, %dma_start3A_95] : memref<1000000x16xf32, #tpu.memory_space<hbm>> -> memref<1000000x16xf32, #tpu.memory_space<hbm>>
      tpu.enqueue_indirect_dma source(%dma_start3A_96 : memref<1000000x16xf32, #tpu.memory_space<hbm>>) target(%dma_start3A_90 : memref<100x16xf32, #tpu.memory_space<vmem>>) offsets(%dma_start3A_93 : memref<100xi32, #tpu.memory_space<vmem>>) semaphore(%arg8 : memref<!tpu.dma_semaphore, #tpu.memory_space<semaphore_mem>>)
      %dma_wait3A = arith.constant 0 : i32
      %dma_wait3A_97 = arith.constant 0 : i32
      %dma_wait3A_98 = arith.constant 0 : i32
      %dma_wait3A_99 = tpu.memref_slice %arg6[%dma_wait3A_97, %dma_wait3A_98] : memref<800x16xf32, #tpu.memory_space<vmem>> -> memref<100x16xf32, #tpu.memory_space<vmem>>
      %dma_wait3A_100 = arith.constant 0 : i32
      %dma_wait3A_101 = tpu.memref_slice %arg5[%dma_wait3A, %dma_wait3A_100] : memref<8x100xi32, #tpu.memory_space<vmem>> -> memref<1x100xi32, #tpu.memory_space<vmem>>
      %dma_wait3A_102 = tpu.memref_squeeze %dma_wait3A_101 : memref<1x100xi32, #tpu.memory_space<vmem>> -> memref<100xi32, #tpu.memory_space<vmem>>
      %dma_wait3A_103 = arith.constant 0 : i32
      %dma_wait3A_104 = arith.constant 0 : i32
      %dma_wait3A_105 = tpu.memref_slice %arg3[%dma_wait3A_103, %dma_wait3A_104] : memref<1000000x16xf32, #tpu.memory_space<hbm>> -> memref<1000000x16xf32, #tpu.memory_space<hbm>>
      tpu.wait_indirect_dma semaphore(%arg8 : memref<!tpu.dma_semaphore, #tpu.memory_space<semaphore_mem>>) src(%dma_wait3A_105 : memref<1000000x16xf32, #tpu.memory_space<hbm>>) dst(%dma_wait3A_99 : memref<100x16xf32, #tpu.memory_space<vmem>>)
      %dma_wait3A_106 = arith.constant 1 : i32
      %dma_wait3A_107 = arith.constant 100 : i32
      %dma_wait3A_108 = arith.constant 0 : i32
      %dma_wait3A_109 = tpu.memref_slice %arg6[%dma_wait3A_107, %dma_wait3A_108] : memref<800x16xf32, #tpu.memory_space<vmem>> -> memref<100x16xf32, #tpu.memory_space<vmem>>
      %dma_wait3A_110 = arith.constant 0 : i32
      %dma_wait3A_111 = tpu.memref_slice %arg5[%dma_wait3A_106, %dma_wait3A_110] : memref<8x100xi32, #tpu.memory_space<vmem>> -> memref<1x100xi32, #tpu.memory_space<vmem>>
      %dma_wait3A_112 = tpu.memref_squeeze %dma_wait3A_111 : memref<1x100xi32, #tpu.memory_space<vmem>> -> memref<100xi32, #tpu.memory_space<vmem>>
      %dma_wait3A_113 = arith.constant 0 : i32
      %dma_wait3A_114 = arith.constant 0 : i32
      %dma_wait3A_115 = tpu.memref_slice %arg3[%dma_wait3A_113, %dma_wait3A_114] : memref<1000000x16xf32, #tpu.memory_space<hbm>> -> memref<1000000x16xf32, #tpu.memory_space<hbm>>
      tpu.wait_indirect_dma semaphore(%arg8 : memref<!tpu.dma_semaphore, #tpu.memory_space<semaphore_mem>>) src(%dma_wait3A_115 : memref<1000000x16xf32, #tpu.memory_space<hbm>>) dst(%dma_wait3A_109 : memref<100x16xf32, #tpu.memory_space<vmem>>)
      %dma_wait3A_116 = arith.constant 2 : i32
      %dma_wait3A_117 = arith.constant 200 : i32
      %dma_wait3A_118 = arith.constant 0 : i32
      %dma_wait3A_119 = tpu.memref_slice %arg6[%dma_wait3A_117, %dma_wait3A_118] : memref<800x16xf32, #tpu.memory_space<vmem>> -> memref<100x16xf32, #tpu.memory_space<vmem>>
      %dma_wait3A_120 = arith.constant 0 : i32
      %dma_wait3A_121 = tpu.memref_slice %arg5[%dma_wait3A_116, %dma_wait3A_120] : memref<8x100xi32, #tpu.memory_space<vmem>> -> memref<1x100xi32, #tpu.memory_space<vmem>>
      %dma_wait3A_122 = tpu.memref_squeeze %dma_wait3A_121 : memref<1x100xi32, #tpu.memory_space<vmem>> -> memref<100xi32, #tpu.memory_space<vmem>>
      %dma_wait3A_123 = arith.constant 0 : i32
      %dma_wait3A_124 = arith.constant 0 : i32
      %dma_wait3A_125 = tpu.memref_slice %arg3[%dma_wait3A_123, %dma_wait3A_124] : memref<1000000x16xf32, #tpu.memory_space<hbm>> -> memref<1000000x16xf32, #tpu.memory_space<hbm>>
      tpu.wait_indirect_dma semaphore(%arg8 : memref<!tpu.dma_semaphore, #tpu.memory_space<semaphore_mem>>) src(%dma_wait3A_125 : memref<1000000x16xf32, #tpu.memory_space<hbm>>) dst(%dma_wait3A_119 : memref<100x16xf32, #tpu.memory_space<vmem>>)
      %dma_wait3A_126 = arith.constant 3 : i32
      %dma_wait3A_127 = arith.constant 300 : i32
      %dma_wait3A_128 = arith.constant 0 : i32
      %dma_wait3A_129 = tpu.memref_slice %arg6[%dma_wait3A_127, %dma_wait3A_128] : memref<800x16xf32, #tpu.memory_space<vmem>> -> memref<100x16xf32, #tpu.memory_space<vmem>>
      %dma_wait3A_130 = arith.constant 0 : i32
      %dma_wait3A_131 = tpu.memref_slice %arg5[%dma_wait3A_126, %dma_wait3A_130] : memref<8x100xi32, #tpu.memory_space<vmem>> -> memref<1x100xi32, #tpu.memory_space<vmem>>
      %dma_wait3A_132 = tpu.memref_squeeze %dma_wait3A_131 : memref<1x100xi32, #tpu.memory_space<vmem>> -> memref<100xi32, #tpu.memory_space<vmem>>
      %dma_wait3A_133 = arith.constant 0 : i32
      %dma_wait3A_134 = arith.constant 0 : i32
      %dma_wait3A_135 = tpu.memref_slice %arg3[%dma_wait3A_133, %dma_wait3A_134] : memref<1000000x16xf32, #tpu.memory_space<hbm>> -> memref<1000000x16xf32, #tpu.memory_space<hbm>>
      tpu.wait_indirect_dma semaphore(%arg8 : memref<!tpu.dma_semaphore, #tpu.memory_space<semaphore_mem>>) src(%dma_wait3A_135 : memref<1000000x16xf32, #tpu.memory_space<hbm>>) dst(%dma_wait3A_129 : memref<100x16xf32, #tpu.memory_space<vmem>>)
      %dma_wait3A_136 = arith.constant 4 : i32
      %dma_wait3A_137 = arith.constant 400 : i32
      %dma_wait3A_138 = arith.constant 0 : i32
      %dma_wait3A_139 = tpu.memref_slice %arg6[%dma_wait3A_137, %dma_wait3A_138] : memref<800x16xf32, #tpu.memory_space<vmem>> -> memref<100x16xf32, #tpu.memory_space<vmem>>
      %dma_wait3A_140 = arith.constant 0 : i32
      %dma_wait3A_141 = tpu.memref_slice %arg5[%dma_wait3A_136, %dma_wait3A_140] : memref<8x100xi32, #tpu.memory_space<vmem>> -> memref<1x100xi32, #tpu.memory_space<vmem>>
      %dma_wait3A_142 = tpu.memref_squeeze %dma_wait3A_141 : memref<1x100xi32, #tpu.memory_space<vmem>> -> memref<100xi32, #tpu.memory_space<vmem>>
      %dma_wait3A_143 = arith.constant 0 : i32
      %dma_wait3A_144 = arith.constant 0 : i32
      %dma_wait3A_145 = tpu.memref_slice %arg3[%dma_wait3A_143, %dma_wait3A_144] : memref<1000000x16xf32, #tpu.memory_space<hbm>> -> memref<1000000x16xf32, #tpu.memory_space<hbm>>
      tpu.wait_indirect_dma semaphore(%arg8 : memref<!tpu.dma_semaphore, #tpu.memory_space<semaphore_mem>>) src(%dma_wait3A_145 : memref<1000000x16xf32, #tpu.memory_space<hbm>>) dst(%dma_wait3A_139 : memref<100x16xf32, #tpu.memory_space<vmem>>)
      %dma_wait3A_146 = arith.constant 5 : i32
      %dma_wait3A_147 = arith.constant 500 : i32
      %dma_wait3A_148 = arith.constant 0 : i32
      %dma_wait3A_149 = tpu.memref_slice %arg6[%dma_wait3A_147, %dma_wait3A_148] : memref<800x16xf32, #tpu.memory_space<vmem>> -> memref<100x16xf32, #tpu.memory_space<vmem>>
      %dma_wait3A_150 = arith.constant 0 : i32
      %dma_wait3A_151 = tpu.memref_slice %arg5[%dma_wait3A_146, %dma_wait3A_150] : memref<8x100xi32, #tpu.memory_space<vmem>> -> memref<1x100xi32, #tpu.memory_space<vmem>>
      %dma_wait3A_152 = tpu.memref_squeeze %dma_wait3A_151 : memref<1x100xi32, #tpu.memory_space<vmem>> -> memref<100xi32, #tpu.memory_space<vmem>>
      %dma_wait3A_153 = arith.constant 0 : i32
      %dma_wait3A_154 = arith.constant 0 : i32
      %dma_wait3A_155 = tpu.memref_slice %arg3[%dma_wait3A_153, %dma_wait3A_154] : memref<1000000x16xf32, #tpu.memory_space<hbm>> -> memref<1000000x16xf32, #tpu.memory_space<hbm>>
      tpu.wait_indirect_dma semaphore(%arg8 : memref<!tpu.dma_semaphore, #tpu.memory_space<semaphore_mem>>) src(%dma_wait3A_155 : memref<1000000x16xf32, #tpu.memory_space<hbm>>) dst(%dma_wait3A_149 : memref<100x16xf32, #tpu.memory_space<vmem>>)
      %dma_wait3A_156 = arith.constant 6 : i32
      %dma_wait3A_157 = arith.constant 600 : i32
      %dma_wait3A_158 = arith.constant 0 : i32
      %dma_wait3A_159 = tpu.memref_slice %arg6[%dma_wait3A_157, %dma_wait3A_158] : memref<800x16xf32, #tpu.memory_space<vmem>> -> memref<100x16xf32, #tpu.memory_space<vmem>>
      %dma_wait3A_160 = arith.constant 0 : i32
      %dma_wait3A_161 = tpu.memref_slice %arg5[%dma_wait3A_156, %dma_wait3A_160] : memref<8x100xi32, #tpu.memory_space<vmem>> -> memref<1x100xi32, #tpu.memory_space<vmem>>
      %dma_wait3A_162 = tpu.memref_squeeze %dma_wait3A_161 : memref<1x100xi32, #tpu.memory_space<vmem>> -> memref<100xi32, #tpu.memory_space<vmem>>
      %dma_wait3A_163 = arith.constant 0 : i32
      %dma_wait3A_164 = arith.constant 0 : i32
      %dma_wait3A_165 = tpu.memref_slice %arg3[%dma_wait3A_163, %dma_wait3A_164] : memref<1000000x16xf32, #tpu.memory_space<hbm>> -> memref<1000000x16xf32, #tpu.memory_space<hbm>>
      tpu.wait_indirect_dma semaphore(%arg8 : memref<!tpu.dma_semaphore, #tpu.memory_space<semaphore_mem>>) src(%dma_wait3A_165 : memref<1000000x16xf32, #tpu.memory_space<hbm>>) dst(%dma_wait3A_159 : memref<100x16xf32, #tpu.memory_space<vmem>>)
      %dma_wait3A_166 = arith.constant 7 : i32
      %dma_wait3A_167 = arith.constant 700 : i32
      %dma_wait3A_168 = arith.constant 0 : i32
      %dma_wait3A_169 = tpu.memref_slice %arg6[%dma_wait3A_167, %dma_wait3A_168] : memref<800x16xf32, #tpu.memory_space<vmem>> -> memref<100x16xf32, #tpu.memory_space<vmem>>
      %dma_wait3A_170 = arith.constant 0 : i32
      %dma_wait3A_171 = tpu.memref_slice %arg5[%dma_wait3A_166, %dma_wait3A_170] : memref<8x100xi32, #tpu.memory_space<vmem>> -> memref<1x100xi32, #tpu.memory_space<vmem>>
      %dma_wait3A_172 = tpu.memref_squeeze %dma_wait3A_171 : memref<1x100xi32, #tpu.memory_space<vmem>> -> memref<100xi32, #tpu.memory_space<vmem>>
      %dma_wait3A_173 = arith.constant 0 : i32
      %dma_wait3A_174 = arith.constant 0 : i32
      %dma_wait3A_175 = tpu.memref_slice %arg3[%dma_wait3A_173, %dma_wait3A_174] : memref<1000000x16xf32, #tpu.memory_space<hbm>> -> memref<1000000x16xf32, #tpu.memory_space<hbm>>
      tpu.wait_indirect_dma semaphore(%arg8 : memref<!tpu.dma_semaphore, #tpu.memory_space<semaphore_mem>>) src(%dma_wait3A_175 : memref<1000000x16xf32, #tpu.memory_space<hbm>>) dst(%dma_wait3A_169 : memref<100x16xf32, #tpu.memory_space<vmem>>)
      %scan3A_176 = arith.constant 0 : i32
      %scan3A_177 = arith.constant 200 : i32
      %scan3A_178 = arith.addi %scan3A_176, %scan3A_177 : i32
      %scan3A_179 = arith.constant 8 : i32
      %scan3A_180 = scf.for %scan3A_255 = %scan3A_176 to %scan3A_178 step %scan3A_179 iter_args(%scan3A_256 = %broadcast_in_dim3A_1) -> (vector<16xf32>)  : i32 {
        %add3A_257 = arith.constant 0 : i32
        %add3A_258 = arith.addi %add3A_257, %scan3A_255 : i32
        %get3A = arith.index_cast %add3A_258 : i32 to index
        %get3A_259 = arith.constant 0 : index
        %get3A_260 = tpu.vector_load %arg6[%get3A, %get3A_259] {strides = array<i32>} : memref<800x16xf32, #tpu.memory_space<vmem>>, vector<1x16xf32>,
        %get3A_261 = vector.shape_cast %get3A_260 : vector<1x16xf32> to vector<16xf32>
        %add3A_262 = arith.addf %scan3A_256, %get3A_261 : vector<16xf32>
        %scan3A_263 = arith.constant 1 : i32
        %scan3A_264 = arith.addi %scan3A_255, %scan3A_263 : i32
        %add3A_265 = arith.constant 0 : i32
        %add3A_266 = arith.addi %add3A_265, %scan3A_264 : i32
        %get3A_267 = arith.index_cast %add3A_266 : i32 to index
        %get3A_268 = arith.constant 0 : index
        %get3A_269 = tpu.vector_load %arg6[%get3A_267, %get3A_268] {strides = array<i32>} : memref<800x16xf32, #tpu.memory_space<vmem>>, vector<1x16xf32>,
        %get3A_270 = vector.shape_cast %get3A_269 : vector<1x16xf32> to vector<16xf32>
        %add3A_271 = arith.addf %add3A_262, %get3A_270 : vector<16xf32>
        %scan3A_272 = arith.constant 2 : i32
        %scan3A_273 = arith.addi %scan3A_255, %scan3A_272 : i32
        %add3A_274 = arith.constant 0 : i32
        %add3A_275 = arith.addi %add3A_274, %scan3A_273 : i32
        %get3A_276 = arith.index_cast %add3A_275 : i32 to index
        %get3A_277 = arith.constant 0 : index
        %get3A_278 = tpu.vector_load %arg6[%get3A_276, %get3A_277] {strides = array<i32>} : memref<800x16xf32, #tpu.memory_space<vmem>>, vector<1x16xf32>,
        %get3A_279 = vector.shape_cast %get3A_278 : vector<1x16xf32> to vector<16xf32>
        %add3A_280 = arith.addf %add3A_271, %get3A_279 : vector<16xf32>
        %scan3A_281 = arith.constant 3 : i32
        %scan3A_282 = arith.addi %scan3A_255, %scan3A_281 : i32
        %add3A_283 = arith.constant 0 : i32
        %add3A_284 = arith.addi %add3A_283, %scan3A_282 : i32
        %get3A_285 = arith.index_cast %add3A_284 : i32 to index
        %get3A_286 = arith.constant 0 : index
        %get3A_287 = tpu.vector_load %arg6[%get3A_285, %get3A_286] {strides = array<i32>} : memref<800x16xf32, #tpu.memory_space<vmem>>, vector<1x16xf32>,
        %get3A_288 = vector.shape_cast %get3A_287 : vector<1x16xf32> to vector<16xf32>
        %add3A_289 = arith.addf %add3A_280, %get3A_288 : vector<16xf32>
        %scan3A_290 = arith.constant 4 : i32
        %scan3A_291 = arith.addi %scan3A_255, %scan3A_290 : i32
        %add3A_292 = arith.constant 0 : i32
        %add3A_293 = arith.addi %add3A_292, %scan3A_291 : i32
        %get3A_294 = arith.index_cast %add3A_293 : i32 to index
        %get3A_295 = arith.constant 0 : index
        %get3A_296 = tpu.vector_load %arg6[%get3A_294, %get3A_295] {strides = array<i32>} : memref<800x16xf32, #tpu.memory_space<vmem>>, vector<1x16xf32>,
        %get3A_297 = vector.shape_cast %get3A_296 : vector<1x16xf32> to vector<16xf32>
        %add3A_298 = arith.addf %add3A_289, %get3A_297 : vector<16xf32>
        %scan3A_299 = arith.constant 5 : i32
        %scan3A_300 = arith.addi %scan3A_255, %scan3A_299 : i32
        %add3A_301 = arith.constant 0 : i32
        %add3A_302 = arith.addi %add3A_301, %scan3A_300 : i32
        %get3A_303 = arith.index_cast %add3A_302 : i32 to index
        %get3A_304 = arith.constant 0 : index
        %get3A_305 = tpu.vector_load %arg6[%get3A_303, %get3A_304] {strides = array<i32>} : memref<800x16xf32, #tpu.memory_space<vmem>>, vector<1x16xf32>,
        %get3A_306 = vector.shape_cast %get3A_305 : vector<1x16xf32> to vector<16xf32>
        %add3A_307 = arith.addf %add3A_298, %get3A_306 : vector<16xf32>
        %scan3A_308 = arith.constant 6 : i32
        %scan3A_309 = arith.addi %scan3A_255, %scan3A_308 : i32
        %add3A_310 = arith.constant 0 : i32
        %add3A_311 = arith.addi %add3A_310, %scan3A_309 : i32
        %get3A_312 = arith.index_cast %add3A_311 : i32 to index
        %get3A_313 = arith.constant 0 : index
        %get3A_314 = tpu.vector_load %arg6[%get3A_312, %get3A_313] {strides = array<i32>} : memref<800x16xf32, #tpu.memory_space<vmem>>, vector<1x16xf32>,
        %get3A_315 = vector.shape_cast %get3A_314 : vector<1x16xf32> to vector<16xf32>
        %add3A_316 = arith.addf %add3A_307, %get3A_315 : vector<16xf32>
        %scan3A_317 = arith.constant 7 : i32
        %scan3A_318 = arith.addi %scan3A_255, %scan3A_317 : i32
        %add3A_319 = arith.constant 0 : i32
        %add3A_320 = arith.addi %add3A_319, %scan3A_318 : i32
        %get3A_321 = arith.index_cast %add3A_320 : i32 to index
        %get3A_322 = arith.constant 0 : index
        %get3A_323 = tpu.vector_load %arg6[%get3A_321, %get3A_322] {strides = array<i32>} : memref<800x16xf32, #tpu.memory_space<vmem>>, vector<1x16xf32>,
        %get3A_324 = vector.shape_cast %get3A_323 : vector<1x16xf32> to vector<16xf32>
        %add3A_325 = arith.addf %add3A_316, %get3A_324 : vector<16xf32>
        scf.yield %add3A_325 : vector<16xf32>
      }
      %scan3A_181 = arith.constant 200 : i32
      %mul3A_182 = arith.constant 4 : i32
      %mul3A_183 = arith.muli %add3A_12, %mul3A_182 : i32
      %add3A_184 = arith.constant 0 : i32
      %add3A_185 = arith.addi %mul3A_183, %add3A_184 : i32
      %swap3A = arith.index_cast %add3A_185 : i32 to index
      %swap3A_186 = arith.constant 0 : index
      %swap3A_187 = tpu.vector_load %arg7[%swap3A, %swap3A_186] {strides = array<i32>} : memref<128x32xf32, #tpu.memory_space<vmem>>, vector<1x16xf32>,
      %swap3A_188 = vector.shape_cast %swap3A_187 : vector<1x16xf32> to vector<16xf32>
      %swap3A_189 = vector.shape_cast %scan3A_180 : vector<16xf32> to vector<1x16xf32>
      tpu.vector_store %arg7[%swap3A, %swap3A_186], %swap3A_189 {strides = array<i32>} : memref<128x32xf32, #tpu.memory_space<vmem>>, vector<1x16xf32>,
      %swap3A_190 = arith.index_cast %add3A_185 : i32 to index
      %swap3A_191 = arith.constant 16 : index
      %swap3A_192 = tpu.vector_load %arg7[%swap3A_190, %swap3A_191] {strides = array<i32>} : memref<128x32xf32, #tpu.memory_space<vmem>>, vector<1x16xf32>,
      %swap3A_193 = vector.shape_cast %swap3A_192 : vector<1x16xf32> to vector<16xf32>
      %swap3A_194 = vector.shape_cast %broadcast_in_dim3A_1 : vector<16xf32> to vector<1x16xf32>
      tpu.vector_store %arg7[%swap3A_190, %swap3A_191], %swap3A_194 {strides = array<i32>} : memref<128x32xf32, #tpu.memory_space<vmem>>, vector<1x16xf32>,
      %scan3A_195 = arith.constant 0 : i32
      %scan3A_196 = arith.constant 200 : i32
      %scan3A_197 = arith.addi %scan3A_195, %scan3A_196 : i32
      %scan3A_198 = arith.constant 8 : i32
      %scan3A_199 = scf.for %scan3A_255 = %scan3A_195 to %scan3A_197 step %scan3A_198 iter_args(%scan3A_256 = %broadcast_in_dim3A_1) -> (vector<16xf32>)  : i32 {
        %add3A_257 = arith.constant 200 : i32
        %add3A_258 = arith.addi %add3A_257, %scan3A_255 : i32
        %get3A = arith.index_cast %add3A_258 : i32 to index
        %get3A_259 = arith.constant 0 : index
        %get3A_260 = tpu.vector_load %arg6[%get3A, %get3A_259] {strides = array<i32>} : memref<800x16xf32, #tpu.memory_space<vmem>>, vector<1x16xf32>,
        %get3A_261 = vector.shape_cast %get3A_260 : vector<1x16xf32> to vector<16xf32>
        %add3A_262 = arith.addf %scan3A_256, %get3A_261 : vector<16xf32>
        %scan3A_263 = arith.constant 1 : i32
        %scan3A_264 = arith.addi %scan3A_255, %scan3A_263 : i32
        %add3A_265 = arith.constant 200 : i32
        %add3A_266 = arith.addi %add3A_265, %scan3A_264 : i32
        %get3A_267 = arith.index_cast %add3A_266 : i32 to index
        %get3A_268 = arith.constant 0 : index
        %get3A_269 = tpu.vector_load %arg6[%get3A_267, %get3A_268] {strides = array<i32>} : memref<800x16xf32, #tpu.memory_space<vmem>>, vector<1x16xf32>,
        %get3A_270 = vector.shape_cast %get3A_269 : vector<1x16xf32> to vector<16xf32>
        %add3A_271 = arith.addf %add3A_262, %get3A_270 : vector<16xf32>
        %scan3A_272 = arith.constant 2 : i32
        %scan3A_273 = arith.addi %scan3A_255, %scan3A_272 : i32
        %add3A_274 = arith.constant 200 : i32
        %add3A_275 = arith.addi %add3A_274, %scan3A_273 : i32
        %get3A_276 = arith.index_cast %add3A_275 : i32 to index
        %get3A_277 = arith.constant 0 : index
        %get3A_278 = tpu.vector_load %arg6[%get3A_276, %get3A_277] {strides = array<i32>} : memref<800x16xf32, #tpu.memory_space<vmem>>, vector<1x16xf32>,
        %get3A_279 = vector.shape_cast %get3A_278 : vector<1x16xf32> to vector<16xf32>
        %add3A_280 = arith.addf %add3A_271, %get3A_279 : vector<16xf32>
        %scan3A_281 = arith.constant 3 : i32
        %scan3A_282 = arith.addi %scan3A_255, %scan3A_281 : i32
        %add3A_283 = arith.constant 200 : i32
        %add3A_284 = arith.addi %add3A_283, %scan3A_282 : i32
        %get3A_285 = arith.index_cast %add3A_284 : i32 to index
        %get3A_286 = arith.constant 0 : index
        %get3A_287 = tpu.vector_load %arg6[%get3A_285, %get3A_286] {strides = array<i32>} : memref<800x16xf32, #tpu.memory_space<vmem>>, vector<1x16xf32>,
        %get3A_288 = vector.shape_cast %get3A_287 : vector<1x16xf32> to vector<16xf32>
        %add3A_289 = arith.addf %add3A_280, %get3A_288 : vector<16xf32>
        %scan3A_290 = arith.constant 4 : i32
        %scan3A_291 = arith.addi %scan3A_255, %scan3A_290 : i32
        %add3A_292 = arith.constant 200 : i32
        %add3A_293 = arith.addi %add3A_292, %scan3A_291 : i32
        %get3A_294 = arith.index_cast %add3A_293 : i32 to index
        %get3A_295 = arith.constant 0 : index
        %get3A_296 = tpu.vector_load %arg6[%get3A_294, %get3A_295] {strides = array<i32>} : memref<800x16xf32, #tpu.memory_space<vmem>>, vector<1x16xf32>,
        %get3A_297 = vector.shape_cast %get3A_296 : vector<1x16xf32> to vector<16xf32>
        %add3A_298 = arith.addf %add3A_289, %get3A_297 : vector<16xf32>
        %scan3A_299 = arith.constant 5 : i32
        %scan3A_300 = arith.addi %scan3A_255, %scan3A_299 : i32
        %add3A_301 = arith.constant 200 : i32
        %add3A_302 = arith.addi %add3A_301, %scan3A_300 : i32
        %get3A_303 = arith.index_cast %add3A_302 : i32 to index
        %get3A_304 = arith.constant 0 : index
        %get3A_305 = tpu.vector_load %arg6[%get3A_303, %get3A_304] {strides = array<i32>} : memref<800x16xf32, #tpu.memory_space<vmem>>, vector<1x16xf32>,
        %get3A_306 = vector.shape_cast %get3A_305 : vector<1x16xf32> to vector<16xf32>
        %add3A_307 = arith.addf %add3A_298, %get3A_306 : vector<16xf32>
        %scan3A_308 = arith.constant 6 : i32
        %scan3A_309 = arith.addi %scan3A_255, %scan3A_308 : i32
        %add3A_310 = arith.constant 200 : i32
        %add3A_311 = arith.addi %add3A_310, %scan3A_309 : i32
        %get3A_312 = arith.index_cast %add3A_311 : i32 to index
        %get3A_313 = arith.constant 0 : index
        %get3A_314 = tpu.vector_load %arg6[%get3A_312, %get3A_313] {strides = array<i32>} : memref<800x16xf32, #tpu.memory_space<vmem>>, vector<1x16xf32>,
        %get3A_315 = vector.shape_cast %get3A_314 : vector<1x16xf32> to vector<16xf32>
        %add3A_316 = arith.addf %add3A_307, %get3A_315 : vector<16xf32>
        %scan3A_317 = arith.constant 7 : i32
        %scan3A_318 = arith.addi %scan3A_255, %scan3A_317 : i32
        %add3A_319 = arith.constant 200 : i32
        %add3A_320 = arith.addi %add3A_319, %scan3A_318 : i32
        %get3A_321 = arith.index_cast %add3A_320 : i32 to index
        %get3A_322 = arith.constant 0 : index
        %get3A_323 = tpu.vector_load %arg6[%get3A_321, %get3A_322] {strides = array<i32>} : memref<800x16xf32, #tpu.memory_space<vmem>>, vector<1x16xf32>,
        %get3A_324 = vector.shape_cast %get3A_323 : vector<1x16xf32> to vector<16xf32>
        %add3A_325 = arith.addf %add3A_316, %get3A_324 : vector<16xf32>
        scf.yield %add3A_325 : vector<16xf32>
      }
      %scan3A_200 = arith.constant 200 : i32
      %mul3A_201 = arith.constant 4 : i32
      %mul3A_202 = arith.muli %add3A_12, %mul3A_201 : i32
      %add3A_203 = arith.constant 1 : i32
      %add3A_204 = arith.addi %mul3A_202, %add3A_203 : i32
      %swap3A_205 = arith.index_cast %add3A_204 : i32 to index
      %swap3A_206 = arith.constant 0 : index
      %swap3A_207 = tpu.vector_load %arg7[%swap3A_205, %swap3A_206] {strides = array<i32>} : memref<128x32xf32, #tpu.memory_space<vmem>>, vector<1x16xf32>,
      %swap3A_208 = vector.shape_cast %swap3A_207 : vector<1x16xf32> to vector<16xf32>
      %swap3A_209 = vector.shape_cast %scan3A_199 : vector<16xf32> to vector<1x16xf32>
      tpu.vector_store %arg7[%swap3A_205, %swap3A_206], %swap3A_209 {strides = array<i32>} : memref<128x32xf32, #tpu.memory_space<vmem>>, vector<1x16xf32>,
      %swap3A_210 = arith.index_cast %add3A_204 : i32 to index
      %swap3A_211 = arith.constant 16 : index
      %swap3A_212 = tpu.vector_load %arg7[%swap3A_210, %swap3A_211] {strides = array<i32>} : memref<128x32xf32, #tpu.memory_space<vmem>>, vector<1x16xf32>,
      %swap3A_213 = vector.shape_cast %swap3A_212 : vector<1x16xf32> to vector<16xf32>
      %swap3A_214 = vector.shape_cast %broadcast_in_dim3A_1 : vector<16xf32> to vector<1x16xf32>
      tpu.vector_store %arg7[%swap3A_210, %swap3A_211], %swap3A_214 {strides = array<i32>} : memref<128x32xf32, #tpu.memory_space<vmem>>, vector<1x16xf32>,
      %scan3A_215 = arith.constant 0 : i32
      %scan3A_216 = arith.constant 200 : i32
      %scan3A_217 = arith.addi %scan3A_215, %scan3A_216 : i32
      %scan3A_218 = arith.constant 8 : i32
      %scan3A_219 = scf.for %scan3A_255 = %scan3A_215 to %scan3A_217 step %scan3A_218 iter_args(%scan3A_256 = %broadcast_in_dim3A_1) -> (vector<16xf32>)  : i32 {
        %add3A_257 = arith.constant 400 : i32
        %add3A_258 = arith.addi %add3A_257, %scan3A_255 : i32
        %get3A = arith.index_cast %add3A_258 : i32 to index
        %get3A_259 = arith.constant 0 : index
        %get3A_260 = tpu.vector_load %arg6[%get3A, %get3A_259] {strides = array<i32>} : memref<800x16xf32, #tpu.memory_space<vmem>>, vector<1x16xf32>,
        %get3A_261 = vector.shape_cast %get3A_260 : vector<1x16xf32> to vector<16xf32>
        %add3A_262 = arith.addf %scan3A_256, %get3A_261 : vector<16xf32>
        %scan3A_263 = arith.constant 1 : i32
        %scan3A_264 = arith.addi %scan3A_255, %scan3A_263 : i32
        %add3A_265 = arith.constant 400 : i32
        %add3A_266 = arith.addi %add3A_265, %scan3A_264 : i32
        %get3A_267 = arith.index_cast %add3A_266 : i32 to index
        %get3A_268 = arith.constant 0 : index
        %get3A_269 = tpu.vector_load %arg6[%get3A_267, %get3A_268] {strides = array<i32>} : memref<800x16xf32, #tpu.memory_space<vmem>>, vector<1x16xf32>,
        %get3A_270 = vector.shape_cast %get3A_269 : vector<1x16xf32> to vector<16xf32>
        %add3A_271 = arith.addf %add3A_262, %get3A_270 : vector<16xf32>
        %scan3A_272 = arith.constant 2 : i32
        %scan3A_273 = arith.addi %scan3A_255, %scan3A_272 : i32
        %add3A_274 = arith.constant 400 : i32
        %add3A_275 = arith.addi %add3A_274, %scan3A_273 : i32
        %get3A_276 = arith.index_cast %add3A_275 : i32 to index
        %get3A_277 = arith.constant 0 : index
        %get3A_278 = tpu.vector_load %arg6[%get3A_276, %get3A_277] {strides = array<i32>} : memref<800x16xf32, #tpu.memory_space<vmem>>, vector<1x16xf32>,
        %get3A_279 = vector.shape_cast %get3A_278 : vector<1x16xf32> to vector<16xf32>
        %add3A_280 = arith.addf %add3A_271, %get3A_279 : vector<16xf32>
        %scan3A_281 = arith.constant 3 : i32
        %scan3A_282 = arith.addi %scan3A_255, %scan3A_281 : i32
        %add3A_283 = arith.constant 400 : i32
        %add3A_284 = arith.addi %add3A_283, %scan3A_282 : i32
        %get3A_285 = arith.index_cast %add3A_284 : i32 to index
        %get3A_286 = arith.constant 0 : index
        %get3A_287 = tpu.vector_load %arg6[%get3A_285, %get3A_286] {strides = array<i32>} : memref<800x16xf32, #tpu.memory_space<vmem>>, vector<1x16xf32>,
        %get3A_288 = vector.shape_cast %get3A_287 : vector<1x16xf32> to vector<16xf32>
        %add3A_289 = arith.addf %add3A_280, %get3A_288 : vector<16xf32>
        %scan3A_290 = arith.constant 4 : i32
        %scan3A_291 = arith.addi %scan3A_255, %scan3A_290 : i32
        %add3A_292 = arith.constant 400 : i32
        %add3A_293 = arith.addi %add3A_292, %scan3A_291 : i32
        %get3A_294 = arith.index_cast %add3A_293 : i32 to index
        %get3A_295 = arith.constant 0 : index
        %get3A_296 = tpu.vector_load %arg6[%get3A_294, %get3A_295] {strides = array<i32>} : memref<800x16xf32, #tpu.memory_space<vmem>>, vector<1x16xf32>,
        %get3A_297 = vector.shape_cast %get3A_296 : vector<1x16xf32> to vector<16xf32>
        %add3A_298 = arith.addf %add3A_289, %get3A_297 : vector<16xf32>
        %scan3A_299 = arith.constant 5 : i32
        %scan3A_300 = arith.addi %scan3A_255, %scan3A_299 : i32
        %add3A_301 = arith.constant 400 : i32
        %add3A_302 = arith.addi %add3A_301, %scan3A_300 : i32
        %get3A_303 = arith.index_cast %add3A_302 : i32 to index
        %get3A_304 = arith.constant 0 : index
        %get3A_305 = tpu.vector_load %arg6[%get3A_303, %get3A_304] {strides = array<i32>} : memref<800x16xf32, #tpu.memory_space<vmem>>, vector<1x16xf32>,
        %get3A_306 = vector.shape_cast %get3A_305 : vector<1x16xf32> to vector<16xf32>
        %add3A_307 = arith.addf %add3A_298, %get3A_306 : vector<16xf32>
        %scan3A_308 = arith.constant 6 : i32
        %scan3A_309 = arith.addi %scan3A_255, %scan3A_308 : i32
        %add3A_310 = arith.constant 400 : i32
        %add3A_311 = arith.addi %add3A_310, %scan3A_309 : i32
        %get3A_312 = arith.index_cast %add3A_311 : i32 to index
        %get3A_313 = arith.constant 0 : index
        %get3A_314 = tpu.vector_load %arg6[%get3A_312, %get3A_313] {strides = array<i32>} : memref<800x16xf32, #tpu.memory_space<vmem>>, vector<1x16xf32>,
        %get3A_315 = vector.shape_cast %get3A_314 : vector<1x16xf32> to vector<16xf32>
        %add3A_316 = arith.addf %add3A_307, %get3A_315 : vector<16xf32>
        %scan3A_317 = arith.constant 7 : i32
        %scan3A_318 = arith.addi %scan3A_255, %scan3A_317 : i32
        %add3A_319 = arith.constant 400 : i32
        %add3A_320 = arith.addi %add3A_319, %scan3A_318 : i32
        %get3A_321 = arith.index_cast %add3A_320 : i32 to index
        %get3A_322 = arith.constant 0 : index
        %get3A_323 = tpu.vector_load %arg6[%get3A_321, %get3A_322] {strides = array<i32>} : memref<800x16xf32, #tpu.memory_space<vmem>>, vector<1x16xf32>,
        %get3A_324 = vector.shape_cast %get3A_323 : vector<1x16xf32> to vector<16xf32>
        %add3A_325 = arith.addf %add3A_316, %get3A_324 : vector<16xf32>
        scf.yield %add3A_325 : vector<16xf32>
      }
      %scan3A_220 = arith.constant 200 : i32
      %mul3A_221 = arith.constant 4 : i32
      %mul3A_222 = arith.muli %add3A_12, %mul3A_221 : i32
      %add3A_223 = arith.constant 2 : i32
      %add3A_224 = arith.addi %mul3A_222, %add3A_223 : i32
      %swap3A_225 = arith.index_cast %add3A_224 : i32 to index
      %swap3A_226 = arith.constant 0 : index
      %swap3A_227 = tpu.vector_load %arg7[%swap3A_225, %swap3A_226] {strides = array<i32>} : memref<128x32xf32, #tpu.memory_space<vmem>>, vector<1x16xf32>,
      %swap3A_228 = vector.shape_cast %swap3A_227 : vector<1x16xf32> to vector<16xf32>
      %swap3A_229 = vector.shape_cast %scan3A_219 : vector<16xf32> to vector<1x16xf32>
      tpu.vector_store %arg7[%swap3A_225, %swap3A_226], %swap3A_229 {strides = array<i32>} : memref<128x32xf32, #tpu.memory_space<vmem>>, vector<1x16xf32>,
      %swap3A_230 = arith.index_cast %add3A_224 : i32 to index
      %swap3A_231 = arith.constant 16 : index
      %swap3A_232 = tpu.vector_load %arg7[%swap3A_230, %swap3A_231] {strides = array<i32>} : memref<128x32xf32, #tpu.memory_space<vmem>>, vector<1x16xf32>,
      %swap3A_233 = vector.shape_cast %swap3A_232 : vector<1x16xf32> to vector<16xf32>
      %swap3A_234 = vector.shape_cast %broadcast_in_dim3A_1 : vector<16xf32> to vector<1x16xf32>
      tpu.vector_store %arg7[%swap3A_230, %swap3A_231], %swap3A_234 {strides = array<i32>} : memref<128x32xf32, #tpu.memory_space<vmem>>, vector<1x16xf32>,
      %scan3A_235 = arith.constant 0 : i32
      %scan3A_236 = arith.constant 200 : i32
      %scan3A_237 = arith.addi %scan3A_235, %scan3A_236 : i32
      %scan3A_238 = arith.constant 8 : i32
      %scan3A_239 = scf.for %scan3A_255 = %scan3A_235 to %scan3A_237 step %scan3A_238 iter_args(%scan3A_256 = %broadcast_in_dim3A_1) -> (vector<16xf32>)  : i32 {
        %add3A_257 = arith.constant 600 : i32
        %add3A_258 = arith.addi %add3A_257, %scan3A_255 : i32
        %get3A = arith.index_cast %add3A_258 : i32 to index
        %get3A_259 = arith.constant 0 : index
        %get3A_260 = tpu.vector_load %arg6[%get3A, %get3A_259] {strides = array<i32>} : memref<800x16xf32, #tpu.memory_space<vmem>>, vector<1x16xf32>,
        %get3A_261 = vector.shape_cast %get3A_260 : vector<1x16xf32> to vector<16xf32>
        %add3A_262 = arith.addf %scan3A_256, %get3A_261 : vector<16xf32>
        %scan3A_263 = arith.constant 1 : i32
        %scan3A_264 = arith.addi %scan3A_255, %scan3A_263 : i32
        %add3A_265 = arith.constant 600 : i32
        %add3A_266 = arith.addi %add3A_265, %scan3A_264 : i32
        %get3A_267 = arith.index_cast %add3A_266 : i32 to index
        %get3A_268 = arith.constant 0 : index
        %get3A_269 = tpu.vector_load %arg6[%get3A_267, %get3A_268] {strides = array<i32>} : memref<800x16xf32, #tpu.memory_space<vmem>>, vector<1x16xf32>,
        %get3A_270 = vector.shape_cast %get3A_269 : vector<1x16xf32> to vector<16xf32>
        %add3A_271 = arith.addf %add3A_262, %get3A_270 : vector<16xf32>
        %scan3A_272 = arith.constant 2 : i32
        %scan3A_273 = arith.addi %scan3A_255, %scan3A_272 : i32
        %add3A_274 = arith.constant 600 : i32
        %add3A_275 = arith.addi %add3A_274, %scan3A_273 : i32
        %get3A_276 = arith.index_cast %add3A_275 : i32 to index
        %get3A_277 = arith.constant 0 : index
        %get3A_278 = tpu.vector_load %arg6[%get3A_276, %get3A_277] {strides = array<i32>} : memref<800x16xf32, #tpu.memory_space<vmem>>, vector<1x16xf32>,
        %get3A_279 = vector.shape_cast %get3A_278 : vector<1x16xf32> to vector<16xf32>
        %add3A_280 = arith.addf %add3A_271, %get3A_279 : vector<16xf32>
        %scan3A_281 = arith.constant 3 : i32
        %scan3A_282 = arith.addi %scan3A_255, %scan3A_281 : i32
        %add3A_283 = arith.constant 600 : i32
        %add3A_284 = arith.addi %add3A_283, %scan3A_282 : i32
        %get3A_285 = arith.index_cast %add3A_284 : i32 to index
        %get3A_286 = arith.constant 0 : index
        %get3A_287 = tpu.vector_load %arg6[%get3A_285, %get3A_286] {strides = array<i32>} : memref<800x16xf32, #tpu.memory_space<vmem>>, vector<1x16xf32>,
        %get3A_288 = vector.shape_cast %get3A_287 : vector<1x16xf32> to vector<16xf32>
        %add3A_289 = arith.addf %add3A_280, %get3A_288 : vector<16xf32>
        %scan3A_290 = arith.constant 4 : i32
        %scan3A_291 = arith.addi %scan3A_255, %scan3A_290 : i32
        %add3A_292 = arith.constant 600 : i32
        %add3A_293 = arith.addi %add3A_292, %scan3A_291 : i32
        %get3A_294 = arith.index_cast %add3A_293 : i32 to index
        %get3A_295 = arith.constant 0 : index
        %get3A_296 = tpu.vector_load %arg6[%get3A_294, %get3A_295] {strides = array<i32>} : memref<800x16xf32, #tpu.memory_space<vmem>>, vector<1x16xf32>,
        %get3A_297 = vector.shape_cast %get3A_296 : vector<1x16xf32> to vector<16xf32>
        %add3A_298 = arith.addf %add3A_289, %get3A_297 : vector<16xf32>
        %scan3A_299 = arith.constant 5 : i32
        %scan3A_300 = arith.addi %scan3A_255, %scan3A_299 : i32
        %add3A_301 = arith.constant 600 : i32
        %add3A_302 = arith.addi %add3A_301, %scan3A_300 : i32
        %get3A_303 = arith.index_cast %add3A_302 : i32 to index
        %get3A_304 = arith.constant 0 : index
        %get3A_305 = tpu.vector_load %arg6[%get3A_303, %get3A_304] {strides = array<i32>} : memref<800x16xf32, #tpu.memory_space<vmem>>, vector<1x16xf32>,
        %get3A_306 = vector.shape_cast %get3A_305 : vector<1x16xf32> to vector<16xf32>
        %add3A_307 = arith.addf %add3A_298, %get3A_306 : vector<16xf32>
        %scan3A_308 = arith.constant 6 : i32
        %scan3A_309 = arith.addi %scan3A_255, %scan3A_308 : i32
        %add3A_310 = arith.constant 600 : i32
        %add3A_311 = arith.addi %add3A_310, %scan3A_309 : i32
        %get3A_312 = arith.index_cast %add3A_311 : i32 to index
        %get3A_313 = arith.constant 0 : index
        %get3A_314 = tpu.vector_load %arg6[%get3A_312, %get3A_313] {strides = array<i32>} : memref<800x16xf32, #tpu.memory_space<vmem>>, vector<1x16xf32>,
        %get3A_315 = vector.shape_cast %get3A_314 : vector<1x16xf32> to vector<16xf32>
        %add3A_316 = arith.addf %add3A_307, %get3A_315 : vector<16xf32>
        %scan3A_317 = arith.constant 7 : i32
        %scan3A_318 = arith.addi %scan3A_255, %scan3A_317 : i32
        %add3A_319 = arith.constant 600 : i32
        %add3A_320 = arith.addi %add3A_319, %scan3A_318 : i32
        %get3A_321 = arith.index_cast %add3A_320 : i32 to index
        %get3A_322 = arith.constant 0 : index
        %get3A_323 = tpu.vector_load %arg6[%get3A_321, %get3A_322] {strides = array<i32>} : memref<800x16xf32, #tpu.memory_space<vmem>>, vector<1x16xf32>,
        %get3A_324 = vector.shape_cast %get3A_323 : vector<1x16xf32> to vector<16xf32>
        %add3A_325 = arith.addf %add3A_316, %get3A_324 : vector<16xf32>
        scf.yield %add3A_325 : vector<16xf32>
      }
      %scan3A_240 = arith.constant 200 : i32
      %mul3A_241 = arith.constant 4 : i32
      %mul3A_242 = arith.muli %add3A_12, %mul3A_241 : i32
      %add3A_243 = arith.constant 3 : i32
      %add3A_244 = arith.addi %mul3A_242, %add3A_243 : i32
      %swap3A_245 = arith.index_cast %add3A_244 : i32 to index
      %swap3A_246 = arith.constant 0 : index
      %swap3A_247 = tpu.vector_load %arg7[%swap3A_245, %swap3A_246] {strides = array<i32>} : memref<128x32xf32, #tpu.memory_space<vmem>>, vector<1x16xf32>,
      %swap3A_248 = vector.shape_cast %swap3A_247 : vector<1x16xf32> to vector<16xf32>
      %swap3A_249 = vector.shape_cast %scan3A_239 : vector<16xf32> to vector<1x16xf32>
      tpu.vector_store %arg7[%swap3A_245, %swap3A_246], %swap3A_249 {strides = array<i32>} : memref<128x32xf32, #tpu.memory_space<vmem>>, vector<1x16xf32>,
      %swap3A_250 = arith.index_cast %add3A_244 : i32 to index
      %swap3A_251 = arith.constant 16 : index
      %swap3A_252 = tpu.vector_load %arg7[%swap3A_250, %swap3A_251] {strides = array<i32>} : memref<128x32xf32, #tpu.memory_space<vmem>>, vector<1x16xf32>,
      %swap3A_253 = vector.shape_cast %swap3A_252 : vector<1x16xf32> to vector<16xf32>
      %swap3A_254 = vector.shape_cast %broadcast_in_dim3A_1 : vector<16xf32> to vector<1x16xf32>
      tpu.vector_store %arg7[%swap3A_250, %swap3A_251], %swap3A_254 {strides = array<i32>} : memref<128x32xf32, #tpu.memory_space<vmem>>, vector<1x16xf32>,
    }
    %scan3A_5 = arith.constant 32 : i32
    %mul3A_6 = arith.constant 128 : i32
    %mul3A_7 = arith.muli %add3A, %mul3A_6 : i32
    "tpu.region"() ({
      %run_scoped3A = tpu.sem_alloc : memref<!tpu.dma_semaphore, #tpu.memory_space<semaphore_mem>>
      %dma_start3A = arith.constant 0 : i32
      %dma_start3A_8 = tpu.memref_slice %arg4[%mul3A_7, %dma_start3A] : memref<4096x32xf32, #tpu.memory_space<hbm>> -> memref<128x32xf32, #tpu.memory_space<hbm>>
      %dma_start3A_9 = arith.constant 0 : i32
      %dma_start3A_10 = tpu.memref_slice %arg4[%mul3A_7, %dma_start3A_9] : memref<4096x32xf32, #tpu.memory_space<hbm>> -> memref<128x32xf32, #tpu.memory_space<hbm>>
      tpu.enqueue_dma source(%arg7 : memref<128x32xf32, #tpu.memory_space<vmem>>) target(%dma_start3A_10 : memref<128x32xf32, #tpu.memory_space<hbm>>) target_semaphore(%run_scoped3A : memref<!tpu.dma_semaphore, #tpu.memory_space<semaphore_mem>>)
      %dma_wait3A = arith.constant 0 : i32
      %dma_wait3A_11 = tpu.memref_slice %arg4[%mul3A_7, %dma_wait3A] : memref<4096x32xf32, #tpu.memory_space<hbm>> -> memref<128x32xf32, #tpu.memory_space<hbm>>
      %dma_wait3A_12 = arith.constant 0 : i32
      %dma_wait3A_13 = tpu.memref_slice %arg4[%mul3A_7, %dma_wait3A_12] : memref<4096x32xf32, #tpu.memory_space<hbm>> -> memref<128x32xf32, #tpu.memory_space<hbm>>
      tpu.wait_dma2 semaphore(%run_scoped3A : memref<!tpu.dma_semaphore, #tpu.memory_space<semaphore_mem>>) src(%arg7 : memref<128x32xf32, #tpu.memory_space<vmem>>) dst(%dma_wait3A_13 : memref<128x32xf32, #tpu.memory_space<hbm>>)
      tpu.yield
    }) : () -> ()
    return
  }
}

module attributes {stable_mosaic.version = 14 : i64} {
  func.func @_project_body(%arg0: i32, %arg1: memref<5000x256xf32, #tpu.memory_space<vmem>>, %arg2: memref<256x128xf32, #tpu.memory_space<vmem>>, %arg3: memref<1x128xf32, #tpu.memory_space<vmem>>, %arg4: memref<5000x128xf32, #tpu.memory_space<vmem>>) attributes {dimension_semantics = [#tpu.dimension_semantics<arbitrary>], iteration_bounds = array<i64: 25>, scalar_prefetch = 0 : i64, scratch_operands = 0 : i64, tpu.core_type = #tpu.core_type<tc>, window_params = [{transform_indices = @transform_0, window_bounds = array<i64: 5000, 256>}, {pipeline_mode = #tpu.pipeline_mode<synchronous>, transform_indices = @transform_1, window_bounds = array<i64: 256, 128>}, {pipeline_mode = #tpu.pipeline_mode<synchronous>, transform_indices = @transform_2, window_bounds = array<i64: 1, 128>}, {transform_indices = @transform_3, window_bounds = array<i64: 5000, 128>}]} {
    %get3A = arith.constant 0 : index
    %get3A_0 = arith.constant 0 : index
    %get3A_1 = vector.load %arg1[%get3A, %get3A_0] : memref<5000x256xf32, #tpu.memory_space<vmem>>, vector<5000x256xf32>
    %get3A_2 = arith.constant 0 : index
    %get3A_3 = arith.constant 0 : index
    %get3A_4 = vector.load %arg2[%get3A_2, %get3A_3] : memref<256x128xf32, #tpu.memory_space<vmem>>, vector<256x128xf32>
    %dot_general3A = arith.constant dense<0.000000e+00> : vector<5000x128xf32>
    %dot_general3A_5 = tpu.matmul %get3A_1, %get3A_4, %dot_general3A {dimension_numbers = #tpu.dot_dimension_numbers<[1], [0], [0], [1], [0, 0, 1, 1], [], []>, transpose_lhs_hint = false} : vector<5000x256xf32>, vector<256x128xf32>, vector<5000x128xf32> -> vector<5000x128xf32>
    %mul3A = arith.constant 5.000000e-03 : f32
    %mul3A_6 = vector.broadcast %mul3A : f32 to vector<5000x128xf32>
    %mul3A_7 = arith.mulf %dot_general3A_5, %mul3A_6 : vector<5000x128xf32>
    %get3A_8 = arith.constant 0 : index
    %get3A_9 = arith.constant 0 : index
    %get3A_10 = vector.load %arg3[%get3A_8, %get3A_9] : memref<1x128xf32, #tpu.memory_space<vmem>>, vector<1x128xf32>
    %add3A = vector.broadcast %get3A_10 : vector<1x128xf32> to vector<5000x128xf32>
    %add3A_11 = arith.addf %mul3A_7, %add3A : vector<5000x128xf32>
    %swap3A = arith.constant 0 : index
    %swap3A_12 = arith.constant 0 : index
    %swap3A_13 = vector.load %arg4[%swap3A, %swap3A_12] : memref<5000x128xf32, #tpu.memory_space<vmem>>, vector<5000x128xf32>
    tpu.vector_store %arg4[%swap3A, %swap3A_12], %add3A_11 {strides = array<i32>} : memref<5000x128xf32, #tpu.memory_space<vmem>>, vector<5000x128xf32>,
    return
  }
  func.func @transform_0(%arg0: i32) -> (i32, i32) {
    %c0_i32 = arith.constant 0 : i32
    %c0_i32_0 = arith.constant 0 : i32
    return %arg0, %c0_i32 : i32, i32
  }
  func.func @transform_1(%arg0: i32) -> (i32, i32) {
    %c0_i32 = arith.constant 0 : i32
    %c0_i32_0 = arith.constant 0 : i32
    %c0_i32_1 = arith.constant 0 : i32
    return %c0_i32, %c0_i32_0 : i32, i32
  }
  func.func @transform_2(%arg0: i32) -> (i32, i32) {
    %c0_i32 = arith.constant 0 : i32
    %c0_i32_0 = arith.constant 0 : i32
    %c0_i32_1 = arith.constant 0 : i32
    return %c0_i32, %c0_i32_0 : i32, i32
  }
  func.func @transform_3(%arg0: i32) -> (i32, i32) {
    %c0_i32 = arith.constant 0 : i32
    %c0_i32_0 = arith.constant 0 : i32
    return %arg0, %c0_i32 : i32, i32
  }
}

</mosaic_0001>

<sc_bundles>
// kernel: kernel.4.cloned.1.call-start
scs
__scs_entry_jumppad:
0x0: {  	(pc) =	sbr.rel $0x88, $3  }
0x1: {  	(tag) =	ssettag $0x0;
	lr =	simm.s32 $0x1  }
0x2: {  	[smem:$0x3F9D] =	sst lr;
	_ =	strace $0xD0000000  }
0x3: {  	_ = 	snop  }
0x4: {  	_ = 	snop  }
0x5: {  	_ = 	snop  }
0x6: {  	_ = 	snop  }
0x7: {  	_ = 	snop  }
__scs_overlays_trampoline_lowered:
0x8: {  	[smem:$0x3FAC] =	sst s0  }
0x9: {  	[smem:$0x3FAD] =	sst s1  }
0xa: {  	[smem:$0x3FAE] =	sst s2  }
0xb: {  	[smem:$0x3FAF] =	sst s3  }
0xc: {  	[smem:$0x3FB0] =	sst s4  }
0xd: {  	[smem:$0x3FB1] =	sst s5  }
0xe: {  	[smem:$0x3FB2] =	sst s6  }
0xf: {  	[smem:$0x3FB3] =	sst s7  }
0x10: {  	[smem:$0x3FB4] =	sst s8  }
0x11: {  	[smem:$0x3FB5] =	sst s9;
	s0 =	simm.s32 @!p0 $0x0  }
0x12: {  	s1 =	sld [smem:$0x3F9B];
	s0 =	simm.s32 @p0 $0x1  }
0x13: {  	[smem:$0x3FB6] =	sst s0;
	s0 =	simm.s32 @!p1 $0x0  }
0x14: {  	s2 =	sld [smem:$0x3F9A];
	s0 =	simm.s32 @p1 $0x1  }
0x15: {  	[smem:$0x3FB7] =	sst s0;
	s0 =	simm.s32 @!p2 $0x0  }
0x16: {  	s3 =	sld [smem:$0x3FDB];
	s0 =	simm.s32 @p2 $0x1  }
0x17: {  	s4 =	simm.s32 $0x1BF5;
	[smem:$0x3FB9] =	sst s0  }
0x18: {  	s0 =	sld [smem:$0x3F9C];
	_ =	swait.ge [sflag:s4], $0x0  }
0x19: {  	s7 =	sld [smem:$0x3F9D]  }
0x1a: {  	s8 =	sadd.s32 $0xFFFFE003, lr  }
0x1b: {  	s9 =	sadd.s32 $0xFFFFFEF7, lr;
	s5 =	simm.s32 $0xFFFFFFFF;
	p2 =	slt.u32 s8, $0xFFFFF086  }
0x1c: {  	p1 =	slt.u32 s9, $0xF7A;
	s5 =	simm.s32 @!p2 $0x0  }
0x1d: {  	s5 =	simm.s32 @p1 $0x1;
	p0 =	seq.s32 s7, s2  }
0x1e: {  	s7 =	smul.u32 @!p0 $0xF7A, s2;
	p2 =	seq.s32 @!p0 s5, $0x0  }
0x1f: {  	s9 =	smul.u32 $0xF7A, s1;
	s8 =	simm.s32 @!p0 $0x1BF5;
	p2 =	por !p2, p0  }
0x20: {  	[sflag:s8] =	ssyncset.s32 @!p0 $0xFFFFF086;
	s6 =	sadd.s32 @!p0 s3, s7;
	s7 =	simm.s32 @!p0 $0x108  }
0x21: {  	s3 =	sadd.s32 s3, s9;
	s6 =	sadd.s32 @!p0 $0x88, s6;
	s7 =	simm.s32 @p2 $0x1082  }
0x22: {  	[simem:s7], [sflag:s8] =	dma.local @!p0 [hbm:s6], $0xF7A  }
0x23: {  	s9 =	sor.u32 $0xD0000000, s2;
	s6 =	simm.s32 $0x108;
	_ =	swait.ge @!p0 [sflag:s8], $0x0  }
0x24: {  	s3 =	sadd.s32 $0x88, s3;
	s6 =	simm.s32 @!p1 $0x1082;
	[sflag:s4] =	ssyncset.s32 $0xFFFFF086  }
0x25: {  	[simem:s6], [sflag:s4] =	dma.local [hbm:s3], $0xF7A  }
0x26: {  	[smem:$0x3F9D] =	sst s1;
	(tag) =	ssettag s2;
	_ =	strace s9  }
0x27: {  	s1 =	sld [smem:$0x3FAD]  }
0x28: {  	s2 =	sld [smem:$0x3FAE]  }
0x29: {  	s4 =	sld [smem:$0x3FB0]  }
0x2a: {  	p0 =	seq.s32 s5, $0x0;
	s5 =	sld [smem:$0x3FB1]  }
0x2b: {  	s6 =	sld [smem:$0x3FB2]  }
0x2c: {  	s7 =	sld [smem:$0x3FB3]  }
0x2d: {  	s3 =	simm.s32 $0x108;
	s8 =	sld [smem:$0x3FB4]  }
0x2e: {  	s3 =	simm.s32 @!p0 $0x1082;
	s9 =	sld [smem:$0x3FB5]  }
0x2f: {  	lr =	sadd.s32 s0, s3;
	s0 =	sld [smem:$0x3FAC]  }
0x30: {  	s3 =	sld [smem:$0x3FAF]  }
0x31: {  	[smem:$0x3FB8] =	sst s10  }
0x32: {  	s10 =	sld [smem:$0x3FB6];
	_ =	sdelay $0x3  }
0x33: {  	p0 =	seq.s32 s10, $0x1;
	s10 =	sld [smem:$0x3FB8];
	_ =	sdelay $0x3  }
0x34: {  	[smem:$0x3FB8] =	sst s10  }
0x35: {  	s10 =	sld [smem:$0x3FB7];
	_ =	sdelay $0x3  }
0x36: {  	p1 =	seq.s32 s10, $0x1;
	s10 =	sld [smem:$0x3FB8];
	_ =	sdelay $0x3  }
0x37: {  	[smem:$0x3FB8] =	sst s10  }
0x38: {  	s10 =	sld [smem:$0x3FB9]  }
0x39: {  	_ = 	snop;
	(pc) =	sbr.ind lr, $3  }
0x3a: {  	_ = 	snop  }
0x3b: {  	_ = 	snop  }
0x3c: {  	p2 =	seq.s32 s10, $0x1;
	s10 =	sld [smem:$0x3FB8]  }
0x3d: {  	_ =	shalt  }
0x3e: {  	_ =	shalt  }
0x3f: {  	_ =	shalt  }
0x40: {  	_ =	shalt  }
0x41: {  	_ =	shalt  }
0x42: {  	_ =	shalt  }
0x43: {  	_ =	shalt  }
0x44: {  	_ =	shalt  }
0x45: {  	_ =	shalt  }
0x46: {  	_ =	shalt  }
0x47: {  	_ =	shalt  }
0x48: {  	_ =	shalt  }
0x49: {  	_ =	shalt  }
0x4a: {  	_ =	shalt  }
0x4b: {  	_ =	shalt  }
0x4c: {  	_ =	shalt  }
0x4d: {  	_ =	shalt  }
0x4e: {  	_ =	shalt  }
0x4f: {  	_ =	shalt  }
0x50: {  	_ =	shalt  }
0x51: {  	_ =	shalt  }
0x52: {  	_ =	shalt  }
0x53: {  	_ =	shalt  }
0x54: {  	_ =	shalt  }
0x55: {  	_ =	shalt  }
0x56: {  	_ =	shalt  }
0x57: {  	_ =	shalt  }
0x58: {  	_ =	shalt  }
0x59: {  	_ =	shalt  }
0x5a: {  	_ =	shalt  }
0x5b: {  	_ =	shalt  }
0x5c: {  	_ =	shalt  }
0x5d: {  	_ =	shalt  }
0x5e: {  	_ =	shalt  }
0x5f: {  	_ =	shalt  }
0x60: {  	_ =	shalt  }
0x61: {  	_ =	shalt  }
0x62: {  	_ =	shalt  }
0x63: {  	_ =	shalt  }
0x64: {  	_ =	shalt  }
0x65: {  	_ =	shalt  }
0x66: {  	_ =	shalt  }
0x67: {  	_ =	shalt  }
0x68: {  	_ =	shalt  }
0x69: {  	_ =	shalt  }
0x6a: {  	_ =	shalt  }
0x6b: {  	_ =	shalt  }
0x6c: {  	_ =	shalt  }
0x6d: {  	_ =	shalt  }
0x6e: {  	_ =	shalt  }
0x6f: {  	_ =	shalt  }
0x70: {  	_ =	shalt  }
0x71: {  	_ =	shalt  }
0x72: {  	_ =	shalt  }
0x73: {  	_ =	shalt  }
0x74: {  	_ =	shalt  }
0x75: {  	_ =	shalt  }
0x76: {  	_ =	shalt  }
0x77: {  	_ =	shalt  }
0x78: {  	_ =	shalt  }
0x79: {  	_ =	shalt  }
0x7a: {  	_ =	shalt  }
0x7b: {  	_ =	shalt  }
0x7c: {  	_ =	shalt  }
0x7d: {  	_ =	shalt  }
0x7e: {  	_ =	shalt  }
0x7f: {  	_ =	shalt  }
0x80: {  	_ =	shalt  }
0x81: {  	_ =	shalt  }
0x82: {  	_ =	shalt  }
0x83: {  	_ =	shalt  }
0x84: {  	_ =	shalt  }
0x85: {  	_ =	shalt  }
0x86: {  	_ =	shalt  }
0x87: {  	_ =	shalt  }
.Lfunc_end0:
.L_simem_size_0:
called_computation_lowered:
.L_overlay_start_0:
0x88: {  	s2 =	sld [smem:$0x3FD9]  }
0x89: {  	s3 =	sld [smem:$0x3FFE];
	_ =	sdelay $0x1  }
0x8a: {  	s1 =	srdreg.scid  }
0x8b: {  	s0 =	sand.u32 $0x1, s1  }
0x8c: {  	s16 =	sshll.u32 s0, $0xA;
	s2 =	sadd.s32 s3, s2  }
0x8d: {  	s2 =	sadd.s32 s2, s16  }
0x8e: {  	[smem:$0x3FC4] =	sst s2  }
0x8f: {  	_ = 	snop  }
0x90: {  	(tm) =	ssettm $0x1  }
0x91: {  	s17 =	sld [smem:$0x3FFB];
	_ =	sdelay $0x3  }
0x92: {  	_ =	strace s17  }
0x93: {  	s2 =	sld [smem:$0x3FFC];
	_ =	sdelay $0x3  }
0x94: {  	_ =	strace s2  }
0x95: {  	s2 =	sld [smem:$0x3FFD];
	_ =	sdelay $0x3  }
0x96: {  	_ =	strace s2  }
0x97: {  	_ =	strace $0x8FFFFFFF  }
0x98: {  	s18 =	sld [smem:$0x3FDB];
	_ =	sdelay $0x1  }
0x99: {  	s19 =	simm.s32 $_scs_section_size  }
0x9a: {  	s4 =	simm.s32 $_size__tile_overlayer_lowered;
	s5 =	simm.s32 $_tile_overlayer_lowered  }
0x9b: {  	s22 =	simm.s32 $0x1BFF;
	s21 =	sshll.u32 s5, $0x1;
	s2 =	sadd.s32 s19, s18  }
0x9c: {  	s6 =	simm.s32 $0x0;
	s20 =	sshll.u32 s4, $0x1;
	s4 =	sadd.s32 s21, s2  }
0x9d: {  	[timem:s6], [sflag:s22] =	dma.local [hbm:s4], s20  }
0x9e: {  	_ =	swait.ge [sflag:s22], s20  }
0x9f: {  	s3 =	ssub.s32 $0x0, s20;
	[sflag:s22] =	ssyncset.done $0x0  }
0xa0: {  	[sflag:s22] =	ssyncadd.s32 s3;
	_ =	sdelay $0x1  }
0xa1: {  	s23 =	simm.s32 $0x1B8B  }
0xa2: {  	_ =	swait.ge [sflag:s23], $0x1  }
0xa3: {  	[sflag:s23] =	ssyncset.done $0x0  }
0xa4: {  	s25 =	simm.s32 $0x1B8E;
	s24 =	sld [smem:$0x3FFE];
	[sflag:s23] =	ssyncadd.s32 $0xFFFFFFFF  }
0xa5: {  	s26 =	simm.s32 $execute0_lowered;
	[smem:$0x3FD2] =	sst s25  }
0xa6: {  	s4 =	sshll.u32 s26, $0x1;
	_ =	strace $0x80000046;
	[dreg:$0x1] =	wrdreg $0xFFFFFFFF  }
0xa7: {  	s28 =	simm.s32 $_size_execute0_lowered;
	s2 =	sadd.s32 s2, s4;
	[dreg:$0x0] =	wrdreg $0x0  }
0xa8: {  	s4 =	sshll.u32 s28, $0x1;
	[dreg:$0x2] =	wrdreg s2  }
0xa9: {  	[dreg:$0x3] =	wrdreg s4  }
0xaa: {  	[dreg:$0x4] =	wrdreg $0xC0  }
0xab: {  	_ =	task [dreg:s6], $0x5FFFF  }
0xac: {  	[dreg:$0x1] =	wrdreg $0xFFFFFFFF  }
0xad: {  	[dreg:$0x0] =	wrdreg $0x60  }
0xae: {  	[dreg:$0x2] =	wrdreg s24  }
0xaf: {  	[dreg:$0x3] =	wrdreg $0x9  }
0xb0: {  	_ =	task.clear_ibuf [dreg:s6], $0x4FFFF;
	_ =	strace $0x90000046  }
0xb1: {  	s29 =	simm.s32 $0x9;
	_ =	strace $0x80000048  }
0xb2: {  	_ =	swait.ge [sflag:s29], $0x1  }
0xb3: {  	[sflag:s29] =	ssyncadd.s32 $0xFFFFFFFF  }
0xb4: {  	_ =	strace $0x90000048  }
0xb5: {  	_ =	sfence  }
0xb6: {  	s30 =	sld [smem:$0x0];
	_ =	sdelay $0x2  }
0xb7: {  	s31 =	sshll.u32 s1, $0xD;
	s1 =	sshrl.u32 s1, $0x2  }
0xb8: {  	s3 =	sand.u32 $0x4000, s31;
	s1 =	sadd.s32 s1, s30  }
0xb9: {  	s0 =	sor.u32 s3, s0;
	s1 =	sshll.u32 s1, $0x11  }
0xba: {  	s0 =	sor.u32 s1, s0  }
0xbb: {  	s0 =	sadd.s32 $0x8F2B, s0  }
0xbc: {  	[sflag:s0] =	ssyncadd.remote.s32 $0x1  }
0xbd: {  	_ =	sfence.sel $0xFFFF  }
0xbe: {  	[dreg:$0x0] =	wrdreg $0xFFFFFFFF;
	(pc) =	sbr.abs _section_cstart, $3  }
0xbf: {  	[dreg:$0x1] =	wrdreg $0xFFFFFFFF  }
0xc0: {  	_ =	task.clear_ibuf [dreg:s6], $0x2FFFF;
	_ =	strace $0x9FFFFFFF  }
0xc1: {  	(tm) =	ssettm $0x7FFFFFFF  }
tec
execute0_lowered:
.L_overlay_start_1:
0x0: {  	(tag) =	ssettag $0x1  }
0x1: {  	s0 =	rddreg [dreg:$0x0];
	s1 =	srdreg.scid;
	s2 =	simm.s32 $0x0  }
0x2: {  	s8 =	simm.s32 $0x2;
	s9 =	simm.s32 $0x64;
	s10 =	simm.s32 $0x340  }
0x3: {  	s11 =	simm.s32 $0x68;
	s12 =	simm.s32 $0x980;
	s13 =	simm.s32 $0xD0  }
0x4: {  	s14 =	simm.s32 $0xFC0;
	s15 =	simm.s32 $0x138;
	s16 =	simm.s32 $0x1600  }
0x5: {  	s17 =	simm.s32 $0x1A0;
	s18 =	simm.s32 $0x1C40;
	s19 =	simm.s32 $0x208  }
0x6: {  	s20 =	simm.s32 $0x2280;
	s21 =	simm.s32 $0x270;
	s22 =	simm.s32 $0x28C0  }
0x7: {  	s23 =	simm.s32 $0x2D8;
	s24 =	simm.s32 $0x2F00;
	s25 =	simm.s32 $0x1  }
0x8: {  	s26 =	simm.s32 $0x3540;
	s28 =	simm.s32 $0x0;
	s4 =	sand.u32 $0x1, s1  }
0x9: {  	[smem:$0x7FF] =	sst s2;
	s1 =	stileid.u32;
	s3 =	sshll.u32 s4, $0x4  }
0xa: {  	_ =	strace $0x80000047;
	s7 =	ssub.s32 $0x2, s4;
	s5 =	sor.u32 s1, s3  }
0xb: {  	s4 =	sadd.s32 $0x1AC00, s0;
	s31 =	sshrl.u32 s7, $0x1;
	s6 =	sshll.u32 s5, $0x9  }
0xc: {  	s3 =	sadd.s32 $0xC00, s0;
	s7 =	ssub.s32 s7, s31;
	s0 =	sadd.s32 s6, s0  }
0xd: {  	v0 =	vimm.f32 $0.0e+00;
	s5 =	sshll.u32 s5, $0x8;
	s7 =	smax.u32 s7, $0x1;
	s6 =	sadd.s32 $0x203200, s0  }
.LBB2_1:
0xe: {  	s29 =	simm.s32 $0x0  }
.LBB2_2:
0xf: {  	s0 =	sshll.u32 s29, $0x3  }
0x10: {  	s0 =	sadd.s32 s5, s0  }
0x11: {  	s0 =	smul.u32 $0xD, s0;
	_ =	sdelay $0x1  }
0x12: {  	s0 =	sadd.s32 s3, s0  }
0x13: {  	[tilespmem:s2], [sflag:$0x2] =	stream.linear.gather [hbm4b:s0+s2], $0x340, $0x38;
	[tilespmem:$0x4540] =	vst v63  }
0x14: {  	_ =	swait.ge [sflag:s8], $0x340  }
0x15: {  	[sflag:s8] =	ssyncset.done $0x0  }
0x16: {  	[sflag:s8] =	ssyncadd.s32 $0xFFFFFCC0  }
0x17: {  	[tilespmem:s10], [sflag:$0x1] =	stream.indirect.gather [hbm4b:s4+s9], $0x10, s2, s9, $0xb8;
	[tilespmem:$0x4540] =	vst v63  }
0x18: {  	_ = 	snop  }
0x19: {  	[tilespmem:s12], [sflag:$0x1] =	stream.indirect.gather [hbm4b:s4+s9], $0x10, s11, s9, $0xb8;
	[tilespmem:$0x4540] =	vst v63  }
0x1a: {  	_ = 	snop  }
0x1b: {  	[tilespmem:s14], [sflag:$0x1] =	stream.indirect.gather [hbm4b:s4+s9], $0x10, s13, s9, $0xb8;
	[tilespmem:$0x4540] =	vst v63  }
0x1c: {  	_ = 	snop  }
0x1d: {  	[tilespmem:s16], [sflag:$0x1] =	stream.indirect.gather [hbm4b:s4+s9], $0x10, s15, s9, $0xb8;
	[tilespmem:$0x4540] =	vst v63  }
0x1e: {  	_ = 	snop  }
0x1f: {  	[tilespmem:s18], [sflag:$0x1] =	stream.indirect.gather [hbm4b:s4+s9], $0x10, s17, s9, $0xb8;
	[tilespmem:$0x4540] =	vst v63  }
0x20: {  	_ = 	snop  }
0x21: {  	[tilespmem:s20], [sflag:$0x1] =	stream.indirect.gather [hbm4b:s4+s9], $0x10, s19, s9, $0xb8;
	[tilespmem:$0x4540] =	vst v63  }
0x22: {  	_ = 	snop  }
0x23: {  	[tilespmem:s22], [sflag:$0x1] =	stream.indirect.gather [hbm4b:s4+s9], $0x10, s21, s9, $0xb8;
	[tilespmem:$0x4540] =	vst v63  }
0x24: {  	_ = 	snop  }
0x25: {  	[tilespmem:s24], [sflag:$0x1] =	stream.indirect.gather [hbm4b:s4+s9], $0x10, s23, s9, $0xb8;
	[tilespmem:$0x4540] =	vst v63  }
0x26: {  	_ =	swait.ge [sflag:s25], $0x640  }
0x27: {  	[sflag:s25] =	ssyncset.done $0x0  }
0x28: {  	[sflag:s25] =	ssyncadd.s32 $0xFFFFF9C0  }
0x29: {  	_ =	swait.ge [sflag:s25], $0x640  }
0x2a: {  	[sflag:s25] =	ssyncset.done $0x0  }
0x2b: {  	[sflag:s25] =	ssyncadd.s32 $0xFFFFF9C0  }
0x2c: {  	_ =	swait.ge [sflag:s25], $0x640  }
0x2d: {  	[sflag:s25] =	ssyncset.done $0x0  }
0x2e: {  	[sflag:s25] =	ssyncadd.s32 $0xFFFFF9C0  }
0x2f: {  	_ =	swait.ge [sflag:s25], $0x640  }
0x30: {  	[sflag:s25] =	ssyncset.done $0x0  }
0x31: {  	[sflag:s25] =	ssyncadd.s32 $0xFFFFF9C0  }
0x32: {  	_ =	swait.ge [sflag:s25], $0x640  }
0x33: {  	[sflag:s25] =	ssyncset.done $0x0  }
0x34: {  	[sflag:s25] =	ssyncadd.s32 $0xFFFFF9C0  }
0x35: {  	_ =	swait.ge [sflag:s25], $0x640  }
0x36: {  	[sflag:s25] =	ssyncset.done $0x0  }
0x37: {  	[sflag:s25] =	ssyncadd.s32 $0xFFFFF9C0  }
0x38: {  	_ =	swait.ge [sflag:s25], $0x640  }
0x39: {  	[sflag:s25] =	ssyncset.done $0x0  }
0x3a: {  	[sflag:s25] =	ssyncadd.s32 $0xFFFFF9C0  }
0x3b: {  	_ =	swait.ge [sflag:s25], $0x640  }
0x3c: {  	[sflag:s25] =	ssyncset.done $0x0  }
0x3d: {  	s0 =	simm.s32 $0x380;
	[sflag:s25] =	ssyncadd.s32 $0xFFFFF9C0  }
0x3e: {  	v1 =	vld [tilespmem:s0+$0xFFFFFFC0];
	_ =	sdelay $0x1  }
0x3f: {  	v2 =	vld [tilespmem:s0+$0xFFFFFFD0];
	_ =	sdelay $0x1  }
0x40: {  	v3 =	vimm.f32 $0.0e+00;
	v4 =	vld [tilespmem:s0+$0xFFFFFFE0]  }
0x41: {  	v1 =	vadd.f32 v1, v3  }
0x42: {  	v3 =	vld [tilespmem:s0+$0xFFFFFFF0]  }
0x43: {  	v1 =	vadd.f32 v2, v1  }
0x44: {  	v2 =	vld [tilespmem:s0+$0x0]  }
0x45: {  	v1 =	vadd.f32 v4, v1;
	_ =	sdelay $0x1  }
0x46: {  	v4 =	vld [tilespmem:s0+$0x10];
	v1 =	vadd.f32 v3, v1;
	_ =	sdelay $0x1  }
0x47: {  	v3 =	vadd.f32 v2, v1;
	v1 =	vld [tilespmem:s0+$0x20];
	_ =	sdelay $0x1  }
0x48: {  	v2 =	vld [tilespmem:s0+$0x30]  }
0x49: {  	s30 =	simm.s32 $0x0;
	s31 =	simm.s32 $0x400;
	v3 =	vadd.f32 v4, v3  }
.LBB2_3:
0x4a: {  	v4 =	vld [tilespmem:s31+$0xFFFFFFC0];
	s30 =	sadd.s32 $0x8, s30  }
0x4b: {  	p0 =	slt.u32 s30, $0xC0;
	v1 =	vadd.f32 v1, v3  }
0x4c: {  	v3 =	vld [tilespmem:s31+$0xFFFFFFD0]  }
0x4d: {  	v1 =	vadd.f32 v2, v1  }
0x4e: {  	v2 =	vld [tilespmem:s31+$0xFFFFFFE0]  }
0x4f: {  	v1 =	vadd.f32 v4, v1  }
0x50: {  	v4 =	vld [tilespmem:s31+$0xFFFFFFF0]  }
0x51: {  	v1 =	vadd.f32 v3, v1  }
0x52: {  	v3 =	vld [tilespmem:s31+$0x0]  }
0x53: {  	v1 =	vadd.f32 v2, v1  }
0x54: {  	v5 =	vld [tilespmem:s31+$0x10]  }
.Ltmp0:
0x55: {  	v2 =	vadd.f32 v4, v1;
	(pc) =	sbr.rel @p0 .LBB2_3-.Ltmp0, $4  }
0x56: {  	v1 =	vld [tilespmem:s31+$0x20]  }
0x57: {  	v3 =	vadd.f32 v3, v2  }
0x58: {  	v2 =	vld [tilespmem:s31+$0x30]  }
0x59: {  	s31 =	sadd.s32 $0x80, s31;
	v3 =	vadd.f32 v5, v3  }
0x5a: {  	_ = 	snop  }
0x5b: {  	v1 =	vadd.f32 v1, v3;
	_ =	sdelay $0x1  }
0x5c: {  	s0 =	sshll.u32 s29, $0x7;
	v1 =	vadd.f32 v2, v1  }
0x5d: {  	s30 =	sand.u32 $0x3FFFFF80, s0  }
0x5e: {  	[tilespmem:s30+$0x3540] =	vst v1;
	v1 =	vimm.f32 $0.0e+00  }
0x5f: {  	s0 =	simm.s32 $0x1030;
	[tilespmem:s30+$0x3550] =	vst v1  }
0x60: {  	v2 =	vld [tilespmem:s0+$0xFFFFFF90];
	_ =	sdelay $0x1  }
0x61: {  	v3 =	vld [tilespmem:s0+$0xFFFFFFA0];
	_ =	sdelay $0x1  }
0x62: {  	v4 =	vld [tilespmem:s0+$0xFFFFFFB0]  }
0x63: {  	v1 =	vadd.f32 v2, v1  }
0x64: {  	v2 =	vld [tilespmem:s0+$0xFFFFFFC0]  }
0x65: {  	v1 =	vadd.f32 v3, v1  }
0x66: {  	v3 =	vld [tilespmem:s0+$0xFFFFFFD0]  }
0x67: {  	v1 =	vadd.f32 v4, v1;
	_ =	sdelay $0x1  }
0x68: {  	v4 =	vld [tilespmem:s0+$0xFFFFFFE0];
	v1 =	vadd.f32 v2, v1;
	_ =	sdelay $0x1  }
0x69: {  	v3 =	vadd.f32 v3, v1;
	v1 =	vld [tilespmem:s0+$0xFFFFFFF0];
	_ =	sdelay $0x1  }
0x6a: {  	v2 =	vld [tilespmem:s0+$0x0]  }
0x6b: {  	s31 =	simm.s32 $0x0;
	s0 =	simm.s32 $0x10B0;
	v3 =	vadd.f32 v4, v3  }
.LBB2_5:
0x6c: {  	v4 =	vld [tilespmem:s0+$0xFFFFFF90];
	s31 =	sadd.s32 $0x8, s31  }
0x6d: {  	p0 =	slt.u32 s31, $0xC0;
	v1 =	vadd.f32 v1, v3  }
0x6e: {  	v3 =	vld [tilespmem:s0+$0xFFFFFFA0]  }
0x6f: {  	v1 =	vadd.f32 v2, v1  }
0x70: {  	v2 =	vld [tilespmem:s0+$0xFFFFFFB0]  }
0x71: {  	v1 =	vadd.f32 v4, v1  }
0x72: {  	v4 =	vld [tilespmem:s0+$0xFFFFFFC0]  }
0x73: {  	v1 =	vadd.f32 v3, v1  }
0x74: {  	v3 =	vld [tilespmem:s0+$0xFFFFFFD0]  }
0x75: {  	v1 =	vadd.f32 v2, v1  }
0x76: {  	v5 =	vld [tilespmem:s0+$0xFFFFFFE0]  }
.Ltmp1:
0x77: {  	v2 =	vadd.f32 v4, v1;
	(pc) =	sbr.rel @p0 .LBB2_5-.Ltmp1, $4  }
0x78: {  	v1 =	vld [tilespmem:s0+$0xFFFFFFF0]  }
0x79: {  	v3 =	vadd.f32 v3, v2  }
0x7a: {  	v2 =	vld [tilespmem:s0+$0x0]  }
0x7b: {  	s0 =	sadd.s32 $0x80, s0;
	v3 =	vadd.f32 v5, v3  }
0x7c: {  	_ = 	snop  }
0x7d: {  	v1 =	vadd.f32 v1, v3;
	_ =	sdelay $0x1  }
0x7e: {  	v1 =	vadd.f32 v2, v1;
	_ =	sdelay $0x1  }
0x7f: {  	[tilespmem:s30+$0x3560] =	vst v1;
	v1 =	vimm.f32 $0.0e+00  }
0x80: {  	s0 =	simm.s32 $0x1CB0;
	[tilespmem:s30+$0x3570] =	vst v1  }
0x81: {  	v2 =	vld [tilespmem:s0+$0xFFFFFF90];
	_ =	sdelay $0x1  }
0x82: {  	v3 =	vld [tilespmem:s0+$0xFFFFFFA0];
	_ =	sdelay $0x1  }
0x83: {  	v4 =	vld [tilespmem:s0+$0xFFFFFFB0]  }
0x84: {  	v1 =	vadd.f32 v2, v1  }
0x85: {  	v2 =	vld [tilespmem:s0+$0xFFFFFFC0]  }
0x86: {  	v1 =	vadd.f32 v3, v1  }
0x87: {  	v3 =	vld [tilespmem:s0+$0xFFFFFFD0]  }
0x88: {  	v1 =	vadd.f32 v4, v1;
	_ =	sdelay $0x1  }
0x89: {  	v4 =	vld [tilespmem:s0+$0xFFFFFFE0];
	v1 =	vadd.f32 v2, v1;
	_ =	sdelay $0x1  }
0x8a: {  	v3 =	vadd.f32 v3, v1;
	v1 =	vld [tilespmem:s0+$0xFFFFFFF0];
	_ =	sdelay $0x1  }
0x8b: {  	v2 =	vld [tilespmem:s0+$0x0]  }
0x8c: {  	s31 =	simm.s32 $0x0;
	s0 =	simm.s32 $0x1D30;
	v3 =	vadd.f32 v4, v3  }
.LBB2_7:
0x8d: {  	v4 =	vld [tilespmem:s0+$0xFFFFFF90];
	s31 =	sadd.s32 $0x8, s31  }
0x8e: {  	p0 =	slt.u32 s31, $0xC0;
	v1 =	vadd.f32 v1, v3  }
0x8f: {  	v3 =	vld [tilespmem:s0+$0xFFFFFFA0]  }
0x90: {  	v1 =	vadd.f32 v2, v1  }
0x91: {  	v2 =	vld [tilespmem:s0+$0xFFFFFFB0]  }
0x92: {  	v1 =	vadd.f32 v4, v1  }
0x93: {  	v4 =	vld [tilespmem:s0+$0xFFFFFFC0]  }
0x94: {  	v1 =	vadd.f32 v3, v1  }
0x95: {  	v3 =	vld [tilespmem:s0+$0xFFFFFFD0]  }
0x96: {  	v1 =	vadd.f32 v2, v1  }
0x97: {  	v5 =	vld [tilespmem:s0+$0xFFFFFFE0]  }
.Ltmp2:
0x98: {  	v2 =	vadd.f32 v4, v1;
	(pc) =	sbr.rel @p0 .LBB2_7-.Ltmp2, $4  }
0x99: {  	v1 =	vld [tilespmem:s0+$0xFFFFFFF0]  }
0x9a: {  	v3 =	vadd.f32 v3, v2  }
0x9b: {  	v2 =	vld [tilespmem:s0+$0x0]  }
0x9c: {  	s0 =	sadd.s32 $0x80, s0;
	v3 =	vadd.f32 v5, v3  }
0x9d: {  	_ = 	snop  }
0x9e: {  	v1 =	vadd.f32 v1, v3;
	_ =	sdelay $0x1  }
0x9f: {  	v1 =	vadd.f32 v2, v1;
	_ =	sdelay $0x1  }
0xa0: {  	[tilespmem:s30+$0x3580] =	vst v1;
	v1 =	vimm.f32 $0.0e+00  }
0xa1: {  	s0 =	simm.s32 $0x2930;
	[tilespmem:s30+$0x3590] =	vst v1  }
0xa2: {  	v2 =	vld [tilespmem:s0+$0xFFFFFF90];
	_ =	sdelay $0x1  }
0xa3: {  	v3 =	vld [tilespmem:s0+$0xFFFFFFA0];
	_ =	sdelay $0x1  }
0xa4: {  	v4 =	vld [tilespmem:s0+$0xFFFFFFB0]  }
0xa5: {  	v1 =	vadd.f32 v2, v1  }
0xa6: {  	v2 =	vld [tilespmem:s0+$0xFFFFFFC0]  }
0xa7: {  	v1 =	vadd.f32 v3, v1  }
0xa8: {  	v3 =	vld [tilespmem:s0+$0xFFFFFFD0]  }
0xa9: {  	v1 =	vadd.f32 v4, v1;
	_ =	sdelay $0x1  }
0xaa: {  	v4 =	vld [tilespmem:s0+$0xFFFFFFE0];
	v1 =	vadd.f32 v2, v1;
	_ =	sdelay $0x1  }
0xab: {  	v3 =	vadd.f32 v3, v1;
	v1 =	vld [tilespmem:s0+$0xFFFFFFF0];
	_ =	sdelay $0x1  }
0xac: {  	v2 =	vld [tilespmem:s0+$0x0]  }
0xad: {  	s31 =	simm.s32 $0x0;
	s0 =	simm.s32 $0x29B0;
	v3 =	vadd.f32 v4, v3  }
.LBB2_9:
0xae: {  	v4 =	vld [tilespmem:s0+$0xFFFFFF90];
	s31 =	sadd.s32 $0x8, s31  }
0xaf: {  	p0 =	slt.u32 s31, $0xC0;
	v1 =	vadd.f32 v1, v3  }
0xb0: {  	v3 =	vld [tilespmem:s0+$0xFFFFFFA0]  }
0xb1: {  	v1 =	vadd.f32 v2, v1  }
0xb2: {  	v2 =	vld [tilespmem:s0+$0xFFFFFFB0]  }
0xb3: {  	v1 =	vadd.f32 v4, v1  }
0xb4: {  	v4 =	vld [tilespmem:s0+$0xFFFFFFC0]  }
0xb5: {  	v1 =	vadd.f32 v3, v1  }
0xb6: {  	v3 =	vld [tilespmem:s0+$0xFFFFFFD0]  }
0xb7: {  	v1 =	vadd.f32 v2, v1  }
0xb8: {  	v5 =	vld [tilespmem:s0+$0xFFFFFFE0]  }
.Ltmp3:
0xb9: {  	v2 =	vadd.f32 v4, v1;
	(pc) =	sbr.rel @p0 .LBB2_9-.Ltmp3, $4  }
0xba: {  	v1 =	vld [tilespmem:s0+$0xFFFFFFF0]  }
0xbb: {  	v3 =	vadd.f32 v3, v2  }
0xbc: {  	v2 =	vld [tilespmem:s0+$0x0]  }
0xbd: {  	s0 =	sadd.s32 $0x80, s0;
	v3 =	vadd.f32 v5, v3  }
0xbe: {  	s29 =	sadd.s32 $0x1, s29  }
0xbf: {  	p0 =	sne.s32 s29, $0x20  }
.Ltmp4:
0xc0: {  	v1 =	vadd.f32 v1, v3;
	(pc) =	sbr.rel @p0 .LBB2_2-.Ltmp4, $4  }
0xc1: {  	_ = 	snop  }
0xc2: {  	v1 =	vadd.f32 v2, v1  }
0xc3: {  	[tilespmem:s30+$0x35B0] =	vst v0  }
0xc4: {  	[tilespmem:s30+$0x35A0] =	vst v1  }
0xc5: {  	s28 =	sadd.s32 $0x1, s28  }
0xc6: {  	p0 =	sne.s32 s28, s7  }
.Ltmp5:
0xc7: {  	_ = 	snop;
	(pc) =	sbr.rel @p0 .LBB2_1-.Ltmp5, $4  }
0xc8: {  	[hbm4b:s6+s2] =	stream.linear.scatter [tilespmem:s26], [sflag:$0x2], $0x1000, $0x38;
	[tilespmem:$0x4540] =	vst v63  }
0xc9: {  	_ =	swait.ge [sflag:s8], $0x1000  }
0xca: {  	[sflag:s8] =	ssyncset.done $0x0  }
0xcb: {  	[sflag:s8] =	ssyncadd.s32 $0xFFFFF000  }
0xcc: {  	_ =	sfence.sel $0x180000  }
0xcd: {  	[bflag:$0x0] =	sbarrier.arrive $0xFFFF  }
0xce: {  	_ =	strace $0x90000047  }
0xcf: {  	[bflag:$0x2] =	sbarrier.arrive $0xFFFF  }
0xd0: {  	p0 =	sne.s32 s1, $0x0;
	s0 =	rddreg [dreg:$0x1]  }
0xd1: {  	s0 =	sadd.s32 @!p0 $0x100000, s0  }
0xd2: {  	[sflag:s0] =	ssyncadd.tile.s32 @!p0 $0x1;
	_ =	shalt  }
.Lfunc_end2:
_tile_overlayer_lowered:
.L_overlay_start_2:
0xd3: {  	(tag) =	ssettag $0x2  }
0xd4: {  	s0 =	rddreg [dreg:$0x0];
	s2 =	stileid.u32  }
0xd5: {  	s1 =	rddreg [dreg:$0x1];
	p0 =	sne.s32 s2, $0x0  }
0xd6: {  	s3 =	rddreg [dreg:$0x2];
	[bflag:$0x3] =	sbarrier.arrive $0xFFFF;
	s2 =	simm.s32 @!p0 $0x1C02  }
0xd7: {  	[timem:s3], [sflag:s2] =	dma.local @!p0 [hbm:s0], s1  }
0xd8: {  	s0 =	simm.s32 @!p0 $0x2  }
0xd9: {  	_ =	swait.ge @!p0 [sflag:s0], s1  }
0xda: {  	s1 =	ssub.s32 @!p0 $0x0, s1;
	[sflag:s0] =	ssyncset.done @!p0 $0x0  }
0xdb: {  	[sflag:s0] =	ssyncadd.s32 @!p0 s1  }
0xdc: {  	[bflag:$0x3] =	sbarrier.arrive $0xFFFF  }
0xdd: {  	_ =	shalt  }

</sc_bundles>
